<compile_context>
chip_gen: v7x
topology: tpu7x:2x2x1
jax: 0.10.2.dev20260603
libtpu: 0.0.44.dev20260713+nightly
codegen_flags: <defaults>
</compile_context>

<pallas_src>
import functools

import jax
import jax.numpy as jnp
from jax import lax
from jax.experimental import pallas as pl
from jax.experimental.pallas import tpu as pltpu
from jax.experimental.pallas import tpu_sc as plsc

_NC = 2
_NS = 16
_NW = _NC * _NS
_CHUNK = 16
_NBUF = 5


def _emb_body(bpw, nchunk,
              idx_hbm, table_hbm, out_hbm,
              idx_v, rows, gs, ss):
    wid = lax.axis_index("s") * _NC + lax.axis_index("c")
    base = wid * bpw

    pltpu.sync_copy(idx_hbm.at[wid], idx_v)
    pltpu.sync_copy(idx_hbm.at[wid], idx_v)

    def gather(chunk, b):
        src = table_hbm.at[idx_v.at[chunk]]
        return pltpu.make_async_copy(src, rows[b], gs[b])

    def store(chunk, b):
        dst = out_hbm.at[pl.ds(base + chunk * _CHUNK, _CHUNK)]
        return pltpu.make_async_copy(rows[b], dst, ss[b])

    def step(c, j):
        bp = (j + _NBUF - 1) % _NBUF
        bpp = (j + _NBUF - 2) % _NBUF
        bn = (j + 2) % _NBUF
        gather(c, j).wait()

        @pl.when(c >= 1)
        def _():
            store(c - 1, bp).start()

        @pl.when(c >= 2)
        def _():
            store(c - 2, bpp).wait()

        @pl.when(c + 2 < nchunk)
        def _():
            gather(c + 2, bn).start()

    gather(0, 0).start()
    gather(1, 1).start()

    ngroup = nchunk // _NBUF

    def group(g, _):
        for j in range(_NBUF):
            step(_NBUF * g + j, j)
        return None

    lax.fori_loop(0, ngroup, group, None, unroll=False)

    for c in range(_NBUF * ngroup, nchunk):
        step(c, c % _NBUF)
    pltpu.sync_copy(idx_hbm.at[wid], idx_v)
    store(nchunk - 1, (nchunk - 1) % _NBUF).start()
    store(nchunk - 2, (nchunk - 2) % _NBUF).wait()
    store(nchunk - 1, (nchunk - 1) % _NBUF).wait()


def kernel(pos_ids, table):
    batch, seq = pos_ids.shape
    dim = table.shape[1]
    total = batch * seq
    bpw = total // _NW
    nchunk = bpw // _CHUNK

    flat_ids = pos_ids.reshape(_NW, nchunk, _CHUNK).astype(jnp.int32)

    mesh = plsc.VectorSubcoreMesh(core_axis_name="c", subcore_axis_name="s")
    body = functools.partial(_emb_body, bpw, nchunk)
    out = pl.kernel(
        body,
        out_type=jax.ShapeDtypeStruct((total, dim), jnp.float32),
        mesh=mesh,
        scratch_types=[
            pltpu.VMEM((nchunk, _CHUNK), jnp.int32),
            [pltpu.VMEM((_CHUNK, dim), jnp.float32) for _ in range(_NBUF)],
            [pltpu.SemaphoreType.DMA for _ in range(_NBUF)],
            [pltpu.SemaphoreType.DMA for _ in range(_NBUF)],
        ],
    )(flat_ids, table)
    return out.reshape(batch, seq, dim)

# --- scband reference (transcript-rebuilt; emitter-appended) ---
"""Pipeline reference for scband-absolute-positional-embedding-16381005267237 (READ-ONLY COPY).

The authoritative reference and input builder live on the scoring server;
editing this copy changes nothing except your own understanding.
"""

import jax, jax.numpy as jnp
import numpy as np

MAX_SEQ_LEN = 8192
DIM = 1024
BATCH = 4
SEQ = 8192

def setup_inputs(seed: int = 0) -> dict:
    key = jax.random.key(seed)
    k1, k2 = jax.random.split(key)
    pos_ids = jax.random.randint(k1, (BATCH, SEQ), 0, MAX_SEQ_LEN, dtype=jnp.int64 if jax.config.jax_enable_x64 else jnp.int32)
    # learned embedding table, init like nn.Embedding (N(0,1))
    table = jax.random.normal(k2, (MAX_SEQ_LEN, DIM), dtype=jnp.float32)
    return {"pos_ids": pos_ids, "table": table}

def reference(pos_ids, table):
    # nn.Embedding lookup: gather rows of table by pos_ids
    pos_emb = jnp.take(table, pos_ids, axis=0)
    return pos_emb

if __name__ == "__main__":
    import jax
    _d = setup_inputs()
    print(jax.jit(kernel)(*tuple(_d.values())))

</pallas_src>

<mosaic_0001>
#map = affine_map<(d0, d1) -> (0, 0, 0)>
#map1 = affine_map<(d0, d1) -> (0, 0)>
module attributes {stable_mosaic.version = 14 : i64} {
  func.func @_emb_body(%arg0: i32, %arg1: i32, %arg2: memref<32x64x16xi32, #tpu.memory_space<hbm>>, %arg3: memref<8192x1024xf32, #tpu.memory_space<hbm>>, %arg4: memref<32768x1024xf32, #tpu.memory_space<hbm>>, %arg5: memref<64x16xi32, #tpu.memory_space<vmem>>, %arg6: memref<16x1024xf32, #tpu.memory_space<vmem>>, %arg7: memref<16x1024xf32, #tpu.memory_space<vmem>>, %arg8: memref<16x1024xf32, #tpu.memory_space<vmem>>, %arg9: memref<16x1024xf32, #tpu.memory_space<vmem>>, %arg10: memref<16x1024xf32, #tpu.memory_space<vmem>>, %arg11: memref<!tpu.dma_semaphore, #tpu.memory_space<semaphore_mem>>, %arg12: memref<!tpu.dma_semaphore, #tpu.memory_space<semaphore_mem>>, %arg13: memref<!tpu.dma_semaphore, #tpu.memory_space<semaphore_mem>>, %arg14: memref<!tpu.dma_semaphore, #tpu.memory_space<semaphore_mem>>, %arg15: memref<!tpu.dma_semaphore, #tpu.memory_space<semaphore_mem>>, %arg16: memref<!tpu.dma_semaphore, #tpu.memory_space<semaphore_mem>>, %arg17: memref<!tpu.dma_semaphore, #tpu.memory_space<semaphore_mem>>, %arg18: memref<!tpu.dma_semaphore, #tpu.memory_space<semaphore_mem>>, %arg19: memref<!tpu.dma_semaphore, #tpu.memory_space<semaphore_mem>>, %arg20: memref<!tpu.dma_semaphore, #tpu.memory_space<semaphore_mem>>) attributes {dimension_semantics = [#tpu.dimension_semantics<core_parallel>, #tpu.dimension_semantics<subcore_parallel>], iteration_bounds = array<i64: 2, 16>, scalar_prefetch = 0 : i64, scratch_operands = 16 : i64, tpu.core_type = #tpu.core_type<sc_vector_subcore>, window_params = [{transform_indices = #map}, {transform_indices = #map1}, {transform_indices = #map1}]} {
    %mul3A = arith.constant 2 : i32
    %mul3A_0 = arith.muli %arg1, %mul3A : i32
    %add3A = arith.addi %mul3A_0, %arg0 : i32
    %mul3A_1 = arith.constant 1024 : i32
    %mul3A_2 = arith.muli %add3A, %mul3A_1 : i32
    "tpu.region"() ({
      %run_scoped3A = tpu.sem_alloc : memref<!tpu.dma_semaphore, #tpu.memory_space<semaphore_mem>>
      %dma_start3A_127 = arith.constant 0 : i32
      %dma_start3A_128 = arith.constant 0 : i32
      %dma_start3A_129 = tpu.memref_slice %arg2[%add3A, %dma_start3A_127, %dma_start3A_128] : memref<32x64x16xi32, #tpu.memory_space<hbm>> -> memref<1x64x16xi32, #tpu.memory_space<hbm>>
      %dma_start3A_130 = tpu.memref_squeeze %dma_start3A_129 : memref<1x64x16xi32, #tpu.memory_space<hbm>> -> memref<64x16xi32, #tpu.memory_space<hbm>>
      %dma_start3A_131 = arith.constant 0 : i32
      %dma_start3A_132 = arith.constant 0 : i32
      %dma_start3A_133 = tpu.memref_slice %arg2[%add3A, %dma_start3A_131, %dma_start3A_132] : memref<32x64x16xi32, #tpu.memory_space<hbm>> -> memref<1x64x16xi32, #tpu.memory_space<hbm>>
      %dma_start3A_134 = tpu.memref_squeeze %dma_start3A_133 : memref<1x64x16xi32, #tpu.memory_space<hbm>> -> memref<64x16xi32, #tpu.memory_space<hbm>>
      tpu.enqueue_dma source(%dma_start3A_134 : memref<64x16xi32, #tpu.memory_space<hbm>>) target(%arg5 : memref<64x16xi32, #tpu.memory_space<vmem>>) target_semaphore(%run_scoped3A : memref<!tpu.dma_semaphore, #tpu.memory_space<semaphore_mem>>)
      %dma_wait3A_135 = arith.constant 0 : i32
      %dma_wait3A_136 = arith.constant 0 : i32
      %dma_wait3A_137 = tpu.memref_slice %arg2[%add3A, %dma_wait3A_135, %dma_wait3A_136] : memref<32x64x16xi32, #tpu.memory_space<hbm>> -> memref<1x64x16xi32, #tpu.memory_space<hbm>>
      %dma_wait3A_138 = tpu.memref_squeeze %dma_wait3A_137 : memref<1x64x16xi32, #tpu.memory_space<hbm>> -> memref<64x16xi32, #tpu.memory_space<hbm>>
      %dma_wait3A_139 = arith.constant 0 : i32
      %dma_wait3A_140 = arith.constant 0 : i32
      %dma_wait3A_141 = tpu.memref_slice %arg2[%add3A, %dma_wait3A_139, %dma_wait3A_140] : memref<32x64x16xi32, #tpu.memory_space<hbm>> -> memref<1x64x16xi32, #tpu.memory_space<hbm>>
      %dma_wait3A_142 = tpu.memref_squeeze %dma_wait3A_141 : memref<1x64x16xi32, #tpu.memory_space<hbm>> -> memref<64x16xi32, #tpu.memory_space<hbm>>
      tpu.wait_dma2 semaphore(%run_scoped3A : memref<!tpu.dma_semaphore, #tpu.memory_space<semaphore_mem>>) src(%dma_wait3A_142 : memref<64x16xi32, #tpu.memory_space<hbm>>) dst(%arg5 : memref<64x16xi32, #tpu.memory_space<vmem>>)
      tpu.yield
    }) : () -> ()
    "tpu.region"() ({
      %run_scoped3A = tpu.sem_alloc : memref<!tpu.dma_semaphore, #tpu.memory_space<semaphore_mem>>
      %dma_start3A_127 = arith.constant 0 : i32
      %dma_start3A_128 = arith.constant 0 : i32
      %dma_start3A_129 = tpu.memref_slice %arg2[%add3A, %dma_start3A_127, %dma_start3A_128] : memref<32x64x16xi32, #tpu.memory_space<hbm>> -> memref<1x64x16xi32, #tpu.memory_space<hbm>>
      %dma_start3A_130 = tpu.memref_squeeze %dma_start3A_129 : memref<1x64x16xi32, #tpu.memory_space<hbm>> -> memref<64x16xi32, #tpu.memory_space<hbm>>
      %dma_start3A_131 = arith.constant 0 : i32
      %dma_start3A_132 = arith.constant 0 : i32
      %dma_start3A_133 = tpu.memref_slice %arg2[%add3A, %dma_start3A_131, %dma_start3A_132] : memref<32x64x16xi32, #tpu.memory_space<hbm>> -> memref<1x64x16xi32, #tpu.memory_space<hbm>>
      %dma_start3A_134 = tpu.memref_squeeze %dma_start3A_133 : memref<1x64x16xi32, #tpu.memory_space<hbm>> -> memref<64x16xi32, #tpu.memory_space<hbm>>
      tpu.enqueue_dma source(%dma_start3A_134 : memref<64x16xi32, #tpu.memory_space<hbm>>) target(%arg5 : memref<64x16xi32, #tpu.memory_space<vmem>>) target_semaphore(%run_scoped3A : memref<!tpu.dma_semaphore, #tpu.memory_space<semaphore_mem>>)
      %dma_wait3A_135 = arith.constant 0 : i32
      %dma_wait3A_136 = arith.constant 0 : i32
      %dma_wait3A_137 = tpu.memref_slice %arg2[%add3A, %dma_wait3A_135, %dma_wait3A_136] : memref<32x64x16xi32, #tpu.memory_space<hbm>> -> memref<1x64x16xi32, #tpu.memory_space<hbm>>
      %dma_wait3A_138 = tpu.memref_squeeze %dma_wait3A_137 : memref<1x64x16xi32, #tpu.memory_space<hbm>> -> memref<64x16xi32, #tpu.memory_space<hbm>>
      %dma_wait3A_139 = arith.constant 0 : i32
      %dma_wait3A_140 = arith.constant 0 : i32
      %dma_wait3A_141 = tpu.memref_slice %arg2[%add3A, %dma_wait3A_139, %dma_wait3A_140] : memref<32x64x16xi32, #tpu.memory_space<hbm>> -> memref<1x64x16xi32, #tpu.memory_space<hbm>>
      %dma_wait3A_142 = tpu.memref_squeeze %dma_wait3A_141 : memref<1x64x16xi32, #tpu.memory_space<hbm>> -> memref<64x16xi32, #tpu.memory_space<hbm>>
      tpu.wait_dma2 semaphore(%run_scoped3A : memref<!tpu.dma_semaphore, #tpu.memory_space<semaphore_mem>>) src(%dma_wait3A_142 : memref<64x16xi32, #tpu.memory_space<hbm>>) dst(%arg5 : memref<64x16xi32, #tpu.memory_space<vmem>>)
      tpu.yield
    }) : () -> ()
    %dma_start3A = arith.constant 0 : i32
    %dma_start3A_3 = arith.constant 0 : i32
    %dma_start3A_4 = tpu.memref_slice %arg5[%dma_start3A, %dma_start3A_3] : memref<64x16xi32, #tpu.memory_space<vmem>> -> memref<1x16xi32, #tpu.memory_space<vmem>>
    %dma_start3A_5 = tpu.memref_squeeze %dma_start3A_4 : memref<1x16xi32, #tpu.memory_space<vmem>> -> memref<16xi32, #tpu.memory_space<vmem>>
    %dma_start3A_6 = arith.constant 0 : i32
    %dma_start3A_7 = arith.constant 0 : i32
    %dma_start3A_8 = tpu.memref_slice %arg3[%dma_start3A_6, %dma_start3A_7] : memref<8192x1024xf32, #tpu.memory_space<hbm>> -> memref<8192x1024xf32, #tpu.memory_space<hbm>>
    tpu.enqueue_indirect_dma source(%dma_start3A_8 : memref<8192x1024xf32, #tpu.memory_space<hbm>>) target(%arg6 : memref<16x1024xf32, #tpu.memory_space<vmem>>) offsets(%dma_start3A_5 : memref<16xi32, #tpu.memory_space<vmem>>) semaphore(%arg11 : memref<!tpu.dma_semaphore, #tpu.memory_space<semaphore_mem>>)
    %dma_start3A_9 = arith.constant 1 : i32
    %dma_start3A_10 = arith.constant 0 : i32
    %dma_start3A_11 = tpu.memref_slice %arg5[%dma_start3A_9, %dma_start3A_10] : memref<64x16xi32, #tpu.memory_space<vmem>> -> memref<1x16xi32, #tpu.memory_space<vmem>>
    %dma_start3A_12 = tpu.memref_squeeze %dma_start3A_11 : memref<1x16xi32, #tpu.memory_space<vmem>> -> memref<16xi32, #tpu.memory_space<vmem>>
    %dma_start3A_13 = arith.constant 0 : i32
    %dma_start3A_14 = arith.constant 0 : i32
    %dma_start3A_15 = tpu.memref_slice %arg3[%dma_start3A_13, %dma_start3A_14] : memref<8192x1024xf32, #tpu.memory_space<hbm>> -> memref<8192x1024xf32, #tpu.memory_space<hbm>>
    tpu.enqueue_indirect_dma source(%dma_start3A_15 : memref<8192x1024xf32, #tpu.memory_space<hbm>>) target(%arg7 : memref<16x1024xf32, #tpu.memory_space<vmem>>) offsets(%dma_start3A_12 : memref<16xi32, #tpu.memory_space<vmem>>) semaphore(%arg12 : memref<!tpu.dma_semaphore, #tpu.memory_space<semaphore_mem>>)
    %scan3A = arith.constant 0 : i32
    %scan3A_16 = arith.constant 12 : i32
    %scan3A_17 = arith.addi %scan3A, %scan3A_16 : i32
    %scan3A_18 = arith.constant 1 : i32
    scf.for %scan3A_127 = %scan3A to %scan3A_17 step %scan3A_18  : i32 {
      %mul3A_128 = arith.constant 5 : i32
      %mul3A_129 = arith.muli %mul3A_128, %scan3A_127 : i32
      %add3A_130 = arith.constant 0 : i32
      %add3A_131 = arith.addi %mul3A_129, %add3A_130 : i32
      %dma_wait3A_132 = arith.constant 0 : i32
      %dma_wait3A_133 = tpu.memref_slice %arg5[%add3A_131, %dma_wait3A_132] : memref<64x16xi32, #tpu.memory_space<vmem>> -> memref<1x16xi32, #tpu.memory_space<vmem>>
      %dma_wait3A_134 = tpu.memref_squeeze %dma_wait3A_133 : memref<1x16xi32, #tpu.memory_space<vmem>> -> memref<16xi32, #tpu.memory_space<vmem>>
      %dma_wait3A_135 = arith.constant 0 : i32
      %dma_wait3A_136 = arith.constant 0 : i32
      %dma_wait3A_137 = tpu.memref_slice %arg3[%dma_wait3A_135, %dma_wait3A_136] : memref<8192x1024xf32, #tpu.memory_space<hbm>> -> memref<8192x1024xf32, #tpu.memory_space<hbm>>
      tpu.wait_indirect_dma semaphore(%arg11 : memref<!tpu.dma_semaphore, #tpu.memory_space<semaphore_mem>>) src(%dma_wait3A_137 : memref<8192x1024xf32, #tpu.memory_space<hbm>>) dst(%arg6 : memref<16x1024xf32, #tpu.memory_space<vmem>>)
      %ge3A = arith.constant 1 : i32
      %ge3A_138 = arith.cmpi sge, %add3A_131, %ge3A : i32
      %convert_element_type3A = arith.extui %ge3A_138 : i1 to i32
      %cond3A = arith.constant 0 : i32
      %cond3A_139 = arith.cmpi ne, %convert_element_type3A, %cond3A : i32
      scf.if %cond3A_139 {
        %sub3A = arith.constant 1 : i32
        %sub3A_259 = arith.subi %add3A_131, %sub3A : i32
        %mul3A_260 = arith.constant 16 : i32
        %mul3A_261 = arith.muli %sub3A_259, %mul3A_260 : i32
        %add3A_262 = arith.addi %mul3A_2, %mul3A_261 : i32
        %dma_start3A_263 = arith.constant 0 : i32
        %dma_start3A_264 = tpu.memref_slice %arg4[%add3A_262, %dma_start3A_263] : memref<32768x1024xf32, #tpu.memory_space<hbm>> -> memref<16x1024xf32, #tpu.memory_space<hbm>>
        %dma_start3A_265 = arith.constant 0 : i32
        %dma_start3A_266 = tpu.memref_slice %arg4[%add3A_262, %dma_start3A_265] : memref<32768x1024xf32, #tpu.memory_space<hbm>> -> memref<16x1024xf32, #tpu.memory_space<hbm>>
        tpu.enqueue_dma source(%arg10 : memref<16x1024xf32, #tpu.memory_space<vmem>>) target(%dma_start3A_266 : memref<16x1024xf32, #tpu.memory_space<hbm>>) target_semaphore(%arg20 : memref<!tpu.dma_semaphore, #tpu.memory_space<semaphore_mem>>)
      } else {
      }
      %ge3A_140 = arith.constant 2 : i32
      %ge3A_141 = arith.cmpi sge, %add3A_131, %ge3A_140 : i32
      %convert_element_type3A_142 = arith.extui %ge3A_141 : i1 to i32
      %cond3A_143 = arith.constant 0 : i32
      %cond3A_144 = arith.cmpi ne, %convert_element_type3A_142, %cond3A_143 : i32
      scf.if %cond3A_144 {
        %sub3A = arith.constant 2 : i32
        %sub3A_259 = arith.subi %add3A_131, %sub3A : i32
        %mul3A_260 = arith.constant 16 : i32
        %mul3A_261 = arith.muli %sub3A_259, %mul3A_260 : i32
        %add3A_262 = arith.addi %mul3A_2, %mul3A_261 : i32
        %dma_wait3A_263 = arith.constant 0 : i32
        %dma_wait3A_264 = tpu.memref_slice %arg4[%add3A_262, %dma_wait3A_263] : memref<32768x1024xf32, #tpu.memory_space<hbm>> -> memref<16x1024xf32, #tpu.memory_space<hbm>>
        %dma_wait3A_265 = arith.constant 0 : i32
        %dma_wait3A_266 = tpu.memref_slice %arg4[%add3A_262, %dma_wait3A_265] : memref<32768x1024xf32, #tpu.memory_space<hbm>> -> memref<16x1024xf32, #tpu.memory_space<hbm>>
        tpu.wait_dma2 semaphore(%arg19 : memref<!tpu.dma_semaphore, #tpu.memory_space<semaphore_mem>>) src(%arg9 : memref<16x1024xf32, #tpu.memory_space<vmem>>) dst(%dma_wait3A_266 : memref<16x1024xf32, #tpu.memory_space<hbm>>)
      } else {
      }
      %add3A_145 = arith.constant 2 : i32
      %add3A_146 = arith.addi %add3A_131, %add3A_145 : i32
      %lt3A = arith.constant 64 : i32
      %lt3A_147 = arith.cmpi slt, %add3A_146, %lt3A : i32
      %convert_element_type3A_148 = arith.extui %lt3A_147 : i1 to i32
      %cond3A_149 = arith.constant 0 : i32
      %cond3A_150 = arith.cmpi ne, %convert_element_type3A_148, %cond3A_149 : i32
      scf.if %cond3A_150 {
        %add3A_259 = arith.constant 2 : i32
        %add3A_260 = arith.addi %add3A_131, %add3A_259 : i32
        %dma_start3A_261 = arith.constant 0 : i32
        %dma_start3A_262 = tpu.memref_slice %arg5[%add3A_260, %dma_start3A_261] : memref<64x16xi32, #tpu.memory_space<vmem>> -> memref<1x16xi32, #tpu.memory_space<vmem>>
        %dma_start3A_263 = tpu.memref_squeeze %dma_start3A_262 : memref<1x16xi32, #tpu.memory_space<vmem>> -> memref<16xi32, #tpu.memory_space<vmem>>
        %dma_start3A_264 = arith.constant 0 : i32
        %dma_start3A_265 = arith.constant 0 : i32
        %dma_start3A_266 = tpu.memref_slice %arg3[%dma_start3A_264, %dma_start3A_265] : memref<8192x1024xf32, #tpu.memory_space<hbm>> -> memref<8192x1024xf32, #tpu.memory_space<hbm>>
        tpu.enqueue_indirect_dma source(%dma_start3A_266 : memref<8192x1024xf32, #tpu.memory_space<hbm>>) target(%arg8 : memref<16x1024xf32, #tpu.memory_space<vmem>>) offsets(%dma_start3A_263 : memref<16xi32, #tpu.memory_space<vmem>>) semaphore(%arg13 : memref<!tpu.dma_semaphore, #tpu.memory_space<semaphore_mem>>)
      } else {
      }
      %mul3A_151 = arith.constant 5 : i32
      %mul3A_152 = arith.muli %mul3A_151, %scan3A_127 : i32
      %add3A_153 = arith.constant 1 : i32
      %add3A_154 = arith.addi %mul3A_152, %add3A_153 : i32
      %dma_wait3A_155 = arith.constant 0 : i32
      %dma_wait3A_156 = tpu.memref_slice %arg5[%add3A_154, %dma_wait3A_155] : memref<64x16xi32, #tpu.memory_space<vmem>> -> memref<1x16xi32, #tpu.memory_space<vmem>>
      %dma_wait3A_157 = tpu.memref_squeeze %dma_wait3A_156 : memref<1x16xi32, #tpu.memory_space<vmem>> -> memref<16xi32, #tpu.memory_space<vmem>>
      %dma_wait3A_158 = arith.constant 0 : i32
      %dma_wait3A_159 = arith.constant 0 : i32
      %dma_wait3A_160 = tpu.memref_slice %arg3[%dma_wait3A_158, %dma_wait3A_159] : memref<8192x1024xf32, #tpu.memory_space<hbm>> -> memref<8192x1024xf32, #tpu.memory_space<hbm>>
      tpu.wait_indirect_dma semaphore(%arg12 : memref<!tpu.dma_semaphore, #tpu.memory_space<semaphore_mem>>) src(%dma_wait3A_160 : memref<8192x1024xf32, #tpu.memory_space<hbm>>) dst(%arg7 : memref<16x1024xf32, #tpu.memory_space<vmem>>)
      %ge3A_161 = arith.constant 1 : i32
      %ge3A_162 = arith.cmpi sge, %add3A_154, %ge3A_161 : i32
      %convert_element_type3A_163 = arith.extui %ge3A_162 : i1 to i32
      %cond3A_164 = arith.constant 0 : i32
      %cond3A_165 = arith.cmpi ne, %convert_element_type3A_163, %cond3A_164 : i32
      scf.if %cond3A_165 {
        %sub3A = arith.constant 1 : i32
        %sub3A_259 = arith.subi %add3A_154, %sub3A : i32
        %mul3A_260 = arith.constant 16 : i32
        %mul3A_261 = arith.muli %sub3A_259, %mul3A_260 : i32
        %add3A_262 = arith.addi %mul3A_2, %mul3A_261 : i32
        %dma_start3A_263 = arith.constant 0 : i32
        %dma_start3A_264 = tpu.memref_slice %arg4[%add3A_262, %dma_start3A_263] : memref<32768x1024xf32, #tpu.memory_space<hbm>> -> memref<16x1024xf32, #tpu.memory_space<hbm>>
        %dma_start3A_265 = arith.constant 0 : i32
        %dma_start3A_266 = tpu.memref_slice %arg4[%add3A_262, %dma_start3A_265] : memref<32768x1024xf32, #tpu.memory_space<hbm>> -> memref<16x1024xf32, #tpu.memory_space<hbm>>
        tpu.enqueue_dma source(%arg6 : memref<16x1024xf32, #tpu.memory_space<vmem>>) target(%dma_start3A_266 : memref<16x1024xf32, #tpu.memory_space<hbm>>) target_semaphore(%arg16 : memref<!tpu.dma_semaphore, #tpu.memory_space<semaphore_mem>>)
      } else {
      }
      %ge3A_166 = arith.constant 2 : i32
      %ge3A_167 = arith.cmpi sge, %add3A_154, %ge3A_166 : i32
      %convert_element_type3A_168 = arith.extui %ge3A_167 : i1 to i32
      %cond3A_169 = arith.constant 0 : i32
      %cond3A_170 = arith.cmpi ne, %convert_element_type3A_168, %cond3A_169 : i32
      scf.if %cond3A_170 {
        %sub3A = arith.constant 2 : i32
        %sub3A_259 = arith.subi %add3A_154, %sub3A : i32
        %mul3A_260 = arith.constant 16 : i32
        %mul3A_261 = arith.muli %sub3A_259, %mul3A_260 : i32
        %add3A_262 = arith.addi %mul3A_2, %mul3A_261 : i32
        %dma_wait3A_263 = arith.constant 0 : i32
        %dma_wait3A_264 = tpu.memref_slice %arg4[%add3A_262, %dma_wait3A_263] : memref<32768x1024xf32, #tpu.memory_space<hbm>> -> memref<16x1024xf32, #tpu.memory_space<hbm>>
        %dma_wait3A_265 = arith.constant 0 : i32
        %dma_wait3A_266 = tpu.memref_slice %arg4[%add3A_262, %dma_wait3A_265] : memref<32768x1024xf32, #tpu.memory_space<hbm>> -> memref<16x1024xf32, #tpu.memory_space<hbm>>
        tpu.wait_dma2 semaphore(%arg20 : memref<!tpu.dma_semaphore, #tpu.memory_space<semaphore_mem>>) src(%arg10 : memref<16x1024xf32, #tpu.memory_space<vmem>>) dst(%dma_wait3A_266 : memref<16x1024xf32, #tpu.memory_space<hbm>>)
      } else {
      }
      %add3A_171 = arith.constant 2 : i32
      %add3A_172 = arith.addi %add3A_154, %add3A_171 : i32
      %lt3A_173 = arith.constant 64 : i32
      %lt3A_174 = arith.cmpi slt, %add3A_172, %lt3A_173 : i32
      %convert_element_type3A_175 = arith.extui %lt3A_174 : i1 to i32
      %cond3A_176 = arith.constant 0 : i32
      %cond3A_177 = arith.cmpi ne, %convert_element_type3A_175, %cond3A_176 : i32
      scf.if %cond3A_177 {
        %add3A_259 = arith.constant 2 : i32
        %add3A_260 = arith.addi %add3A_154, %add3A_259 : i32
        %dma_start3A_261 = arith.constant 0 : i32
        %dma_start3A_262 = tpu.memref_slice %arg5[%add3A_260, %dma_start3A_261] : memref<64x16xi32, #tpu.memory_space<vmem>> -> memref<1x16xi32, #tpu.memory_space<vmem>>
        %dma_start3A_263 = tpu.memref_squeeze %dma_start3A_262 : memref<1x16xi32, #tpu.memory_space<vmem>> -> memref<16xi32, #tpu.memory_space<vmem>>
        %dma_start3A_264 = arith.constant 0 : i32
        %dma_start3A_265 = arith.constant 0 : i32
        %dma_start3A_266 = tpu.memref_slice %arg3[%dma_start3A_264, %dma_start3A_265] : memref<8192x1024xf32, #tpu.memory_space<hbm>> -> memref<8192x1024xf32, #tpu.memory_space<hbm>>
        tpu.enqueue_indirect_dma source(%dma_start3A_266 : memref<8192x1024xf32, #tpu.memory_space<hbm>>) target(%arg9 : memref<16x1024xf32, #tpu.memory_space<vmem>>) offsets(%dma_start3A_263 : memref<16xi32, #tpu.memory_space<vmem>>) semaphore(%arg14 : memref<!tpu.dma_semaphore, #tpu.memory_space<semaphore_mem>>)
      } else {
      }
      %mul3A_178 = arith.constant 5 : i32
      %mul3A_179 = arith.muli %mul3A_178, %scan3A_127 : i32
      %add3A_180 = arith.constant 2 : i32
      %add3A_181 = arith.addi %mul3A_179, %add3A_180 : i32
      %dma_wait3A_182 = arith.constant 0 : i32
      %dma_wait3A_183 = tpu.memref_slice %arg5[%add3A_181, %dma_wait3A_182] : memref<64x16xi32, #tpu.memory_space<vmem>> -> memref<1x16xi32, #tpu.memory_space<vmem>>
      %dma_wait3A_184 = tpu.memref_squeeze %dma_wait3A_183 : memref<1x16xi32, #tpu.memory_space<vmem>> -> memref<16xi32, #tpu.memory_space<vmem>>
      %dma_wait3A_185 = arith.constant 0 : i32
      %dma_wait3A_186 = arith.constant 0 : i32
      %dma_wait3A_187 = tpu.memref_slice %arg3[%dma_wait3A_185, %dma_wait3A_186] : memref<8192x1024xf32, #tpu.memory_space<hbm>> -> memref<8192x1024xf32, #tpu.memory_space<hbm>>
      tpu.wait_indirect_dma semaphore(%arg13 : memref<!tpu.dma_semaphore, #tpu.memory_space<semaphore_mem>>) src(%dma_wait3A_187 : memref<8192x1024xf32, #tpu.memory_space<hbm>>) dst(%arg8 : memref<16x1024xf32, #tpu.memory_space<vmem>>)
      %ge3A_188 = arith.constant 1 : i32
      %ge3A_189 = arith.cmpi sge, %add3A_181, %ge3A_188 : i32
      %convert_element_type3A_190 = arith.extui %ge3A_189 : i1 to i32
      %cond3A_191 = arith.constant 0 : i32
      %cond3A_192 = arith.cmpi ne, %convert_element_type3A_190, %cond3A_191 : i32
      scf.if %cond3A_192 {
        %sub3A = arith.constant 1 : i32
        %sub3A_259 = arith.subi %add3A_181, %sub3A : i32
        %mul3A_260 = arith.constant 16 : i32
        %mul3A_261 = arith.muli %sub3A_259, %mul3A_260 : i32
        %add3A_262 = arith.addi %mul3A_2, %mul3A_261 : i32
        %dma_start3A_263 = arith.constant 0 : i32
        %dma_start3A_264 = tpu.memref_slice %arg4[%add3A_262, %dma_start3A_263] : memref<32768x1024xf32, #tpu.memory_space<hbm>> -> memref<16x1024xf32, #tpu.memory_space<hbm>>
        %dma_start3A_265 = arith.constant 0 : i32
        %dma_start3A_266 = tpu.memref_slice %arg4[%add3A_262, %dma_start3A_265] : memref<32768x1024xf32, #tpu.memory_space<hbm>> -> memref<16x1024xf32, #tpu.memory_space<hbm>>
        tpu.enqueue_dma source(%arg7 : memref<16x1024xf32, #tpu.memory_space<vmem>>) target(%dma_start3A_266 : memref<16x1024xf32, #tpu.memory_space<hbm>>) target_semaphore(%arg17 : memref<!tpu.dma_semaphore, #tpu.memory_space<semaphore_mem>>)
      } else {
      }
      %ge3A_193 = arith.constant 2 : i32
      %ge3A_194 = arith.cmpi sge, %add3A_181, %ge3A_193 : i32
      %convert_element_type3A_195 = arith.extui %ge3A_194 : i1 to i32
      %cond3A_196 = arith.constant 0 : i32
      %cond3A_197 = arith.cmpi ne, %convert_element_type3A_195, %cond3A_196 : i32
      scf.if %cond3A_197 {
        %sub3A = arith.constant 2 : i32
        %sub3A_259 = arith.subi %add3A_181, %sub3A : i32
        %mul3A_260 = arith.constant 16 : i32
        %mul3A_261 = arith.muli %sub3A_259, %mul3A_260 : i32
        %add3A_262 = arith.addi %mul3A_2, %mul3A_261 : i32
        %dma_wait3A_263 = arith.constant 0 : i32
        %dma_wait3A_264 = tpu.memref_slice %arg4[%add3A_262, %dma_wait3A_263] : memref<32768x1024xf32, #tpu.memory_space<hbm>> -> memref<16x1024xf32, #tpu.memory_space<hbm>>
        %dma_wait3A_265 = arith.constant 0 : i32
        %dma_wait3A_266 = tpu.memref_slice %arg4[%add3A_262, %dma_wait3A_265] : memref<32768x1024xf32, #tpu.memory_space<hbm>> -> memref<16x1024xf32, #tpu.memory_space<hbm>>
        tpu.wait_dma2 semaphore(%arg16 : memref<!tpu.dma_semaphore, #tpu.memory_space<semaphore_mem>>) src(%arg6 : memref<16x1024xf32, #tpu.memory_space<vmem>>) dst(%dma_wait3A_266 : memref<16x1024xf32, #tpu.memory_space<hbm>>)
      } else {
      }
      %add3A_198 = arith.constant 2 : i32
      %add3A_199 = arith.addi %add3A_181, %add3A_198 : i32
      %lt3A_200 = arith.constant 64 : i32
      %lt3A_201 = arith.cmpi slt, %add3A_199, %lt3A_200 : i32
      %convert_element_type3A_202 = arith.extui %lt3A_201 : i1 to i32
      %cond3A_203 = arith.constant 0 : i32
      %cond3A_204 = arith.cmpi ne, %convert_element_type3A_202, %cond3A_203 : i32
      scf.if %cond3A_204 {
        %add3A_259 = arith.constant 2 : i32
        %add3A_260 = arith.addi %add3A_181, %add3A_259 : i32
        %dma_start3A_261 = arith.constant 0 : i32
        %dma_start3A_262 = tpu.memref_slice %arg5[%add3A_260, %dma_start3A_261] : memref<64x16xi32, #tpu.memory_space<vmem>> -> memref<1x16xi32, #tpu.memory_space<vmem>>
        %dma_start3A_263 = tpu.memref_squeeze %dma_start3A_262 : memref<1x16xi32, #tpu.memory_space<vmem>> -> memref<16xi32, #tpu.memory_space<vmem>>
        %dma_start3A_264 = arith.constant 0 : i32
        %dma_start3A_265 = arith.constant 0 : i32
        %dma_start3A_266 = tpu.memref_slice %arg3[%dma_start3A_264, %dma_start3A_265] : memref<8192x1024xf32, #tpu.memory_space<hbm>> -> memref<8192x1024xf32, #tpu.memory_space<hbm>>
        tpu.enqueue_indirect_dma source(%dma_start3A_266 : memref<8192x1024xf32, #tpu.memory_space<hbm>>) target(%arg10 : memref<16x1024xf32, #tpu.memory_space<vmem>>) offsets(%dma_start3A_263 : memref<16xi32, #tpu.memory_space<vmem>>) semaphore(%arg15 : memref<!tpu.dma_semaphore, #tpu.memory_space<semaphore_mem>>)
      } else {
      }
      %mul3A_205 = arith.constant 5 : i32
      %mul3A_206 = arith.muli %mul3A_205, %scan3A_127 : i32
      %add3A_207 = arith.constant 3 : i32
      %add3A_208 = arith.addi %mul3A_206, %add3A_207 : i32
      %dma_wait3A_209 = arith.constant 0 : i32
      %dma_wait3A_210 = tpu.memref_slice %arg5[%add3A_208, %dma_wait3A_209] : memref<64x16xi32, #tpu.memory_space<vmem>> -> memref<1x16xi32, #tpu.memory_space<vmem>>
      %dma_wait3A_211 = tpu.memref_squeeze %dma_wait3A_210 : memref<1x16xi32, #tpu.memory_space<vmem>> -> memref<16xi32, #tpu.memory_space<vmem>>
      %dma_wait3A_212 = arith.constant 0 : i32
      %dma_wait3A_213 = arith.constant 0 : i32
      %dma_wait3A_214 = tpu.memref_slice %arg3[%dma_wait3A_212, %dma_wait3A_213] : memref<8192x1024xf32, #tpu.memory_space<hbm>> -> memref<8192x1024xf32, #tpu.memory_space<hbm>>
      tpu.wait_indirect_dma semaphore(%arg14 : memref<!tpu.dma_semaphore, #tpu.memory_space<semaphore_mem>>) src(%dma_wait3A_214 : memref<8192x1024xf32, #tpu.memory_space<hbm>>) dst(%arg9 : memref<16x1024xf32, #tpu.memory_space<vmem>>)
      %ge3A_215 = arith.constant 1 : i32
      %ge3A_216 = arith.cmpi sge, %add3A_208, %ge3A_215 : i32
      %convert_element_type3A_217 = arith.extui %ge3A_216 : i1 to i32
      %cond3A_218 = arith.constant 0 : i32
      %cond3A_219 = arith.cmpi ne, %convert_element_type3A_217, %cond3A_218 : i32
      scf.if %cond3A_219 {
        %sub3A = arith.constant 1 : i32
        %sub3A_259 = arith.subi %add3A_208, %sub3A : i32
        %mul3A_260 = arith.constant 16 : i32
        %mul3A_261 = arith.muli %sub3A_259, %mul3A_260 : i32
        %add3A_262 = arith.addi %mul3A_2, %mul3A_261 : i32
        %dma_start3A_263 = arith.constant 0 : i32
        %dma_start3A_264 = tpu.memref_slice %arg4[%add3A_262, %dma_start3A_263] : memref<32768x1024xf32, #tpu.memory_space<hbm>> -> memref<16x1024xf32, #tpu.memory_space<hbm>>
        %dma_start3A_265 = arith.constant 0 : i32
        %dma_start3A_266 = tpu.memref_slice %arg4[%add3A_262, %dma_start3A_265] : memref<32768x1024xf32, #tpu.memory_space<hbm>> -> memref<16x1024xf32, #tpu.memory_space<hbm>>
        tpu.enqueue_dma source(%arg8 : memref<16x1024xf32, #tpu.memory_space<vmem>>) target(%dma_start3A_266 : memref<16x1024xf32, #tpu.memory_space<hbm>>) target_semaphore(%arg18 : memref<!tpu.dma_semaphore, #tpu.memory_space<semaphore_mem>>)
      } else {
      }
      %ge3A_220 = arith.constant 2 : i32
      %ge3A_221 = arith.cmpi sge, %add3A_208, %ge3A_220 : i32
      %convert_element_type3A_222 = arith.extui %ge3A_221 : i1 to i32
      %cond3A_223 = arith.constant 0 : i32
      %cond3A_224 = arith.cmpi ne, %convert_element_type3A_222, %cond3A_223 : i32
      scf.if %cond3A_224 {
        %sub3A = arith.constant 2 : i32
        %sub3A_259 = arith.subi %add3A_208, %sub3A : i32
        %mul3A_260 = arith.constant 16 : i32
        %mul3A_261 = arith.muli %sub3A_259, %mul3A_260 : i32
        %add3A_262 = arith.addi %mul3A_2, %mul3A_261 : i32
        %dma_wait3A_263 = arith.constant 0 : i32
        %dma_wait3A_264 = tpu.memref_slice %arg4[%add3A_262, %dma_wait3A_263] : memref<32768x1024xf32, #tpu.memory_space<hbm>> -> memref<16x1024xf32, #tpu.memory_space<hbm>>
        %dma_wait3A_265 = arith.constant 0 : i32
        %dma_wait3A_266 = tpu.memref_slice %arg4[%add3A_262, %dma_wait3A_265] : memref<32768x1024xf32, #tpu.memory_space<hbm>> -> memref<16x1024xf32, #tpu.memory_space<hbm>>
        tpu.wait_dma2 semaphore(%arg17 : memref<!tpu.dma_semaphore, #tpu.memory_space<semaphore_mem>>) src(%arg7 : memref<16x1024xf32, #tpu.memory_space<vmem>>) dst(%dma_wait3A_266 : memref<16x1024xf32, #tpu.memory_space<hbm>>)
      } else {
      }
      %add3A_225 = arith.constant 2 : i32
      %add3A_226 = arith.addi %add3A_208, %add3A_225 : i32
      %lt3A_227 = arith.constant 64 : i32
      %lt3A_228 = arith.cmpi slt, %add3A_226, %lt3A_227 : i32
      %convert_element_type3A_229 = arith.extui %lt3A_228 : i1 to i32
      %cond3A_230 = arith.constant 0 : i32
      %cond3A_231 = arith.cmpi ne, %convert_element_type3A_229, %cond3A_230 : i32
      scf.if %cond3A_231 {
        %add3A_259 = arith.constant 2 : i32
        %add3A_260 = arith.addi %add3A_208, %add3A_259 : i32
        %dma_start3A_261 = arith.constant 0 : i32
        %dma_start3A_262 = tpu.memref_slice %arg5[%add3A_260, %dma_start3A_261] : memref<64x16xi32, #tpu.memory_space<vmem>> -> memref<1x16xi32, #tpu.memory_space<vmem>>
        %dma_start3A_263 = tpu.memref_squeeze %dma_start3A_262 : memref<1x16xi32, #tpu.memory_space<vmem>> -> memref<16xi32, #tpu.memory_space<vmem>>
        %dma_start3A_264 = arith.constant 0 : i32
        %dma_start3A_265 = arith.constant 0 : i32
        %dma_start3A_266 = tpu.memref_slice %arg3[%dma_start3A_264, %dma_start3A_265] : memref<8192x1024xf32, #tpu.memory_space<hbm>> -> memref<8192x1024xf32, #tpu.memory_space<hbm>>
        tpu.enqueue_indirect_dma source(%dma_start3A_266 : memref<8192x1024xf32, #tpu.memory_space<hbm>>) target(%arg6 : memref<16x1024xf32, #tpu.memory_space<vmem>>) offsets(%dma_start3A_263 : memref<16xi32, #tpu.memory_space<vmem>>) semaphore(%arg11 : memref<!tpu.dma_semaphore, #tpu.memory_space<semaphore_mem>>)
      } else {
      }
      %mul3A_232 = arith.constant 5 : i32
      %mul3A_233 = arith.muli %mul3A_232, %scan3A_127 : i32
      %add3A_234 = arith.constant 4 : i32
      %add3A_235 = arith.addi %mul3A_233, %add3A_234 : i32
      %dma_wait3A_236 = arith.constant 0 : i32
      %dma_wait3A_237 = tpu.memref_slice %arg5[%add3A_235, %dma_wait3A_236] : memref<64x16xi32, #tpu.memory_space<vmem>> -> memref<1x16xi32, #tpu.memory_space<vmem>>
      %dma_wait3A_238 = tpu.memref_squeeze %dma_wait3A_237 : memref<1x16xi32, #tpu.memory_space<vmem>> -> memref<16xi32, #tpu.memory_space<vmem>>
      %dma_wait3A_239 = arith.constant 0 : i32
      %dma_wait3A_240 = arith.constant 0 : i32
      %dma_wait3A_241 = tpu.memref_slice %arg3[%dma_wait3A_239, %dma_wait3A_240] : memref<8192x1024xf32, #tpu.memory_space<hbm>> -> memref<8192x1024xf32, #tpu.memory_space<hbm>>
      tpu.wait_indirect_dma semaphore(%arg15 : memref<!tpu.dma_semaphore, #tpu.memory_space<semaphore_mem>>) src(%dma_wait3A_241 : memref<8192x1024xf32, #tpu.memory_space<hbm>>) dst(%arg10 : memref<16x1024xf32, #tpu.memory_space<vmem>>)
      %ge3A_242 = arith.constant 1 : i32
      %ge3A_243 = arith.cmpi sge, %add3A_235, %ge3A_242 : i32
      %convert_element_type3A_244 = arith.extui %ge3A_243 : i1 to i32
      %cond3A_245 = arith.constant 0 : i32
      %cond3A_246 = arith.cmpi ne, %convert_element_type3A_244, %cond3A_245 : i32
      scf.if %cond3A_246 {
        %sub3A = arith.constant 1 : i32
        %sub3A_259 = arith.subi %add3A_235, %sub3A : i32
        %mul3A_260 = arith.constant 16 : i32
        %mul3A_261 = arith.muli %sub3A_259, %mul3A_260 : i32
        %add3A_262 = arith.addi %mul3A_2, %mul3A_261 : i32
        %dma_start3A_263 = arith.constant 0 : i32
        %dma_start3A_264 = tpu.memref_slice %arg4[%add3A_262, %dma_start3A_263] : memref<32768x1024xf32, #tpu.memory_space<hbm>> -> memref<16x1024xf32, #tpu.memory_space<hbm>>
        %dma_start3A_265 = arith.constant 0 : i32
        %dma_start3A_266 = tpu.memref_slice %arg4[%add3A_262, %dma_start3A_265] : memref<32768x1024xf32, #tpu.memory_space<hbm>> -> memref<16x1024xf32, #tpu.memory_space<hbm>>
        tpu.enqueue_dma source(%arg9 : memref<16x1024xf32, #tpu.memory_space<vmem>>) target(%dma_start3A_266 : memref<16x1024xf32, #tpu.memory_space<hbm>>) target_semaphore(%arg19 : memref<!tpu.dma_semaphore, #tpu.memory_space<semaphore_mem>>)
      } else {
      }
      %ge3A_247 = arith.constant 2 : i32
      %ge3A_248 = arith.cmpi sge, %add3A_235, %ge3A_247 : i32
      %convert_element_type3A_249 = arith.extui %ge3A_248 : i1 to i32
      %cond3A_250 = arith.constant 0 : i32
      %cond3A_251 = arith.cmpi ne, %convert_element_type3A_249, %cond3A_250 : i32
      scf.if %cond3A_251 {
        %sub3A = arith.constant 2 : i32
        %sub3A_259 = arith.subi %add3A_235, %sub3A : i32
        %mul3A_260 = arith.constant 16 : i32
        %mul3A_261 = arith.muli %sub3A_259, %mul3A_260 : i32
        %add3A_262 = arith.addi %mul3A_2, %mul3A_261 : i32
        %dma_wait3A_263 = arith.constant 0 : i32
        %dma_wait3A_264 = tpu.memref_slice %arg4[%add3A_262, %dma_wait3A_263] : memref<32768x1024xf32, #tpu.memory_space<hbm>> -> memref<16x1024xf32, #tpu.memory_space<hbm>>
        %dma_wait3A_265 = arith.constant 0 : i32
        %dma_wait3A_266 = tpu.memref_slice %arg4[%add3A_262, %dma_wait3A_265] : memref<32768x1024xf32, #tpu.memory_space<hbm>> -> memref<16x1024xf32, #tpu.memory_space<hbm>>
        tpu.wait_dma2 semaphore(%arg18 : memref<!tpu.dma_semaphore, #tpu.memory_space<semaphore_mem>>) src(%arg8 : memref<16x1024xf32, #tpu.memory_space<vmem>>) dst(%dma_wait3A_266 : memref<16x1024xf32, #tpu.memory_space<hbm>>)
      } else {
      }
      %add3A_252 = arith.constant 2 : i32
      %add3A_253 = arith.addi %add3A_235, %add3A_252 : i32
      %lt3A_254 = arith.constant 64 : i32
      %lt3A_255 = arith.cmpi slt, %add3A_253, %lt3A_254 : i32
      %convert_element_type3A_256 = arith.extui %lt3A_255 : i1 to i32
      %cond3A_257 = arith.constant 0 : i32
      %cond3A_258 = arith.cmpi ne, %convert_element_type3A_256, %cond3A_257 : i32
      scf.if %cond3A_258 {
        %add3A_259 = arith.constant 2 : i32
        %add3A_260 = arith.addi %add3A_235, %add3A_259 : i32
        %dma_start3A_261 = arith.constant 0 : i32
        %dma_start3A_262 = tpu.memref_slice %arg5[%add3A_260, %dma_start3A_261] : memref<64x16xi32, #tpu.memory_space<vmem>> -> memref<1x16xi32, #tpu.memory_space<vmem>>
        %dma_start3A_263 = tpu.memref_squeeze %dma_start3A_262 : memref<1x16xi32, #tpu.memory_space<vmem>> -> memref<16xi32, #tpu.memory_space<vmem>>
        %dma_start3A_264 = arith.constant 0 : i32
        %dma_start3A_265 = arith.constant 0 : i32
        %dma_start3A_266 = tpu.memref_slice %arg3[%dma_start3A_264, %dma_start3A_265] : memref<8192x1024xf32, #tpu.memory_space<hbm>> -> memref<8192x1024xf32, #tpu.memory_space<hbm>>
        tpu.enqueue_indirect_dma source(%dma_start3A_266 : memref<8192x1024xf32, #tpu.memory_space<hbm>>) target(%arg7 : memref<16x1024xf32, #tpu.memory_space<vmem>>) offsets(%dma_start3A_263 : memref<16xi32, #tpu.memory_space<vmem>>) semaphore(%arg12 : memref<!tpu.dma_semaphore, #tpu.memory_space<semaphore_mem>>)
      } else {
      }
    }
    %scan3A_19 = arith.constant 12 : i32
    %dma_wait3A = arith.constant 60 : i32
    %dma_wait3A_20 = arith.constant 0 : i32
    %dma_wait3A_21 = tpu.memref_slice %arg5[%dma_wait3A, %dma_wait3A_20] : memref<64x16xi32, #tpu.memory_space<vmem>> -> memref<1x16xi32, #tpu.memory_space<vmem>>
    %dma_wait3A_22 = tpu.memref_squeeze %dma_wait3A_21 : memref<1x16xi32, #tpu.memory_space<vmem>> -> memref<16xi32, #tpu.memory_space<vmem>>
    %dma_wait3A_23 = arith.constant 0 : i32
    %dma_wait3A_24 = arith.constant 0 : i32
    %dma_wait3A_25 = tpu.memref_slice %arg3[%dma_wait3A_23, %dma_wait3A_24] : memref<8192x1024xf32, #tpu.memory_space<hbm>> -> memref<8192x1024xf32, #tpu.memory_space<hbm>>
    tpu.wait_indirect_dma semaphore(%arg11 : memref<!tpu.dma_semaphore, #tpu.memory_space<semaphore_mem>>) src(%dma_wait3A_25 : memref<8192x1024xf32, #tpu.memory_space<hbm>>) dst(%arg6 : memref<16x1024xf32, #tpu.memory_space<vmem>>)
    %add3A_26 = arith.constant 944 : i32
    %add3A_27 = arith.addi %mul3A_2, %add3A_26 : i32
    %dma_start3A_28 = arith.constant 0 : i32
    %dma_start3A_29 = tpu.memref_slice %arg4[%add3A_27, %dma_start3A_28] : memref<32768x1024xf32, #tpu.memory_space<hbm>> -> memref<16x1024xf32, #tpu.memory_space<hbm>>
    %dma_start3A_30 = arith.constant 0 : i32
    %dma_start3A_31 = tpu.memref_slice %arg4[%add3A_27, %dma_start3A_30] : memref<32768x1024xf32, #tpu.memory_space<hbm>> -> memref<16x1024xf32, #tpu.memory_space<hbm>>
    tpu.enqueue_dma source(%arg10 : memref<16x1024xf32, #tpu.memory_space<vmem>>) target(%dma_start3A_31 : memref<16x1024xf32, #tpu.memory_space<hbm>>) target_semaphore(%arg20 : memref<!tpu.dma_semaphore, #tpu.memory_space<semaphore_mem>>)
    %add3A_32 = arith.constant 928 : i32
    %add3A_33 = arith.addi %mul3A_2, %add3A_32 : i32
    %dma_wait3A_34 = arith.constant 0 : i32
    %dma_wait3A_35 = tpu.memref_slice %arg4[%add3A_33, %dma_wait3A_34] : memref<32768x1024xf32, #tpu.memory_space<hbm>> -> memref<16x1024xf32, #tpu.memory_space<hbm>>
    %dma_wait3A_36 = arith.constant 0 : i32
    %dma_wait3A_37 = tpu.memref_slice %arg4[%add3A_33, %dma_wait3A_36] : memref<32768x1024xf32, #tpu.memory_space<hbm>> -> memref<16x1024xf32, #tpu.memory_space<hbm>>
    tpu.wait_dma2 semaphore(%arg19 : memref<!tpu.dma_semaphore, #tpu.memory_space<semaphore_mem>>) src(%arg9 : memref<16x1024xf32, #tpu.memory_space<vmem>>) dst(%dma_wait3A_37 : memref<16x1024xf32, #tpu.memory_space<hbm>>)
    %dma_start3A_38 = arith.constant 62 : i32
    %dma_start3A_39 = arith.constant 0 : i32
    %dma_start3A_40 = tpu.memref_slice %arg5[%dma_start3A_38, %dma_start3A_39] : memref<64x16xi32, #tpu.memory_space<vmem>> -> memref<1x16xi32, #tpu.memory_space<vmem>>
    %dma_start3A_41 = tpu.memref_squeeze %dma_start3A_40 : memref<1x16xi32, #tpu.memory_space<vmem>> -> memref<16xi32, #tpu.memory_space<vmem>>
    %dma_start3A_42 = arith.constant 0 : i32
    %dma_start3A_43 = arith.constant 0 : i32
    %dma_start3A_44 = tpu.memref_slice %arg3[%dma_start3A_42, %dma_start3A_43] : memref<8192x1024xf32, #tpu.memory_space<hbm>> -> memref<8192x1024xf32, #tpu.memory_space<hbm>>
    tpu.enqueue_indirect_dma source(%dma_start3A_44 : memref<8192x1024xf32, #tpu.memory_space<hbm>>) target(%arg8 : memref<16x1024xf32, #tpu.memory_space<vmem>>) offsets(%dma_start3A_41 : memref<16xi32, #tpu.memory_space<vmem>>) semaphore(%arg13 : memref<!tpu.dma_semaphore, #tpu.memory_space<semaphore_mem>>)
    %dma_wait3A_45 = arith.constant 61 : i32
    %dma_wait3A_46 = arith.constant 0 : i32
    %dma_wait3A_47 = tpu.memref_slice %arg5[%dma_wait3A_45, %dma_wait3A_46] : memref<64x16xi32, #tpu.memory_space<vmem>> -> memref<1x16xi32, #tpu.memory_space<vmem>>
    %dma_wait3A_48 = tpu.memref_squeeze %dma_wait3A_47 : memref<1x16xi32, #tpu.memory_space<vmem>> -> memref<16xi32, #tpu.memory_space<vmem>>
    %dma_wait3A_49 = arith.constant 0 : i32
    %dma_wait3A_50 = arith.constant 0 : i32
    %dma_wait3A_51 = tpu.memref_slice %arg3[%dma_wait3A_49, %dma_wait3A_50] : memref<8192x1024xf32, #tpu.memory_space<hbm>> -> memref<8192x1024xf32, #tpu.memory_space<hbm>>
    tpu.wait_indirect_dma semaphore(%arg12 : memref<!tpu.dma_semaphore, #tpu.memory_space<semaphore_mem>>) src(%dma_wait3A_51 : memref<8192x1024xf32, #tpu.memory_space<hbm>>) dst(%arg7 : memref<16x1024xf32, #tpu.memory_space<vmem>>)
    %add3A_52 = arith.constant 960 : i32
    %add3A_53 = arith.addi %mul3A_2, %add3A_52 : i32
    %dma_start3A_54 = arith.constant 0 : i32
    %dma_start3A_55 = tpu.memref_slice %arg4[%add3A_53, %dma_start3A_54] : memref<32768x1024xf32, #tpu.memory_space<hbm>> -> memref<16x1024xf32, #tpu.memory_space<hbm>>
    %dma_start3A_56 = arith.constant 0 : i32
    %dma_start3A_57 = tpu.memref_slice %arg4[%add3A_53, %dma_start3A_56] : memref<32768x1024xf32, #tpu.memory_space<hbm>> -> memref<16x1024xf32, #tpu.memory_space<hbm>>
    tpu.enqueue_dma source(%arg6 : memref<16x1024xf32, #tpu.memory_space<vmem>>) target(%dma_start3A_57 : memref<16x1024xf32, #tpu.memory_space<hbm>>) target_semaphore(%arg16 : memref<!tpu.dma_semaphore, #tpu.memory_space<semaphore_mem>>)
    %add3A_58 = arith.constant 944 : i32
    %add3A_59 = arith.addi %mul3A_2, %add3A_58 : i32
    %dma_wait3A_60 = arith.constant 0 : i32
    %dma_wait3A_61 = tpu.memref_slice %arg4[%add3A_59, %dma_wait3A_60] : memref<32768x1024xf32, #tpu.memory_space<hbm>> -> memref<16x1024xf32, #tpu.memory_space<hbm>>
    %dma_wait3A_62 = arith.constant 0 : i32
    %dma_wait3A_63 = tpu.memref_slice %arg4[%add3A_59, %dma_wait3A_62] : memref<32768x1024xf32, #tpu.memory_space<hbm>> -> memref<16x1024xf32, #tpu.memory_space<hbm>>
    tpu.wait_dma2 semaphore(%arg20 : memref<!tpu.dma_semaphore, #tpu.memory_space<semaphore_mem>>) src(%arg10 : memref<16x1024xf32, #tpu.memory_space<vmem>>) dst(%dma_wait3A_63 : memref<16x1024xf32, #tpu.memory_space<hbm>>)
    %dma_start3A_64 = arith.constant 63 : i32
    %dma_start3A_65 = arith.constant 0 : i32
    %dma_start3A_66 = tpu.memref_slice %arg5[%dma_start3A_64, %dma_start3A_65] : memref<64x16xi32, #tpu.memory_space<vmem>> -> memref<1x16xi32, #tpu.memory_space<vmem>>
    %dma_start3A_67 = tpu.memref_squeeze %dma_start3A_66 : memref<1x16xi32, #tpu.memory_space<vmem>> -> memref<16xi32, #tpu.memory_space<vmem>>
    %dma_start3A_68 = arith.constant 0 : i32
    %dma_start3A_69 = arith.constant 0 : i32
    %dma_start3A_70 = tpu.memref_slice %arg3[%dma_start3A_68, %dma_start3A_69] : memref<8192x1024xf32, #tpu.memory_space<hbm>> -> memref<8192x1024xf32, #tpu.memory_space<hbm>>
    tpu.enqueue_indirect_dma source(%dma_start3A_70 : memref<8192x1024xf32, #tpu.memory_space<hbm>>) target(%arg9 : memref<16x1024xf32, #tpu.memory_space<vmem>>) offsets(%dma_start3A_67 : memref<16xi32, #tpu.memory_space<vmem>>) semaphore(%arg14 : memref<!tpu.dma_semaphore, #tpu.memory_space<semaphore_mem>>)
    %dma_wait3A_71 = arith.constant 62 : i32
    %dma_wait3A_72 = arith.constant 0 : i32
    %dma_wait3A_73 = tpu.memref_slice %arg5[%dma_wait3A_71, %dma_wait3A_72] : memref<64x16xi32, #tpu.memory_space<vmem>> -> memref<1x16xi32, #tpu.memory_space<vmem>>
    %dma_wait3A_74 = tpu.memref_squeeze %dma_wait3A_73 : memref<1x16xi32, #tpu.memory_space<vmem>> -> memref<16xi32, #tpu.memory_space<vmem>>
    %dma_wait3A_75 = arith.constant 0 : i32
    %dma_wait3A_76 = arith.constant 0 : i32
    %dma_wait3A_77 = tpu.memref_slice %arg3[%dma_wait3A_75, %dma_wait3A_76] : memref<8192x1024xf32, #tpu.memory_space<hbm>> -> memref<8192x1024xf32, #tpu.memory_space<hbm>>
    tpu.wait_indirect_dma semaphore(%arg13 : memref<!tpu.dma_semaphore, #tpu.memory_space<semaphore_mem>>) src(%dma_wait3A_77 : memref<8192x1024xf32, #tpu.memory_space<hbm>>) dst(%arg8 : memref<16x1024xf32, #tpu.memory_space<vmem>>)
    %add3A_78 = arith.constant 976 : i32
    %add3A_79 = arith.addi %mul3A_2, %add3A_78 : i32
    %dma_start3A_80 = arith.constant 0 : i32
    %dma_start3A_81 = tpu.memref_slice %arg4[%add3A_79, %dma_start3A_80] : memref<32768x1024xf32, #tpu.memory_space<hbm>> -> memref<16x1024xf32, #tpu.memory_space<hbm>>
    %dma_start3A_82 = arith.constant 0 : i32
    %dma_start3A_83 = tpu.memref_slice %arg4[%add3A_79, %dma_start3A_82] : memref<32768x1024xf32, #tpu.memory_space<hbm>> -> memref<16x1024xf32, #tpu.memory_space<hbm>>
    tpu.enqueue_dma source(%arg7 : memref<16x1024xf32, #tpu.memory_space<vmem>>) target(%dma_start3A_83 : memref<16x1024xf32, #tpu.memory_space<hbm>>) target_semaphore(%arg17 : memref<!tpu.dma_semaphore, #tpu.memory_space<semaphore_mem>>)
    %add3A_84 = arith.constant 960 : i32
    %add3A_85 = arith.addi %mul3A_2, %add3A_84 : i32
    %dma_wait3A_86 = arith.constant 0 : i32
    %dma_wait3A_87 = tpu.memref_slice %arg4[%add3A_85, %dma_wait3A_86] : memref<32768x1024xf32, #tpu.memory_space<hbm>> -> memref<16x1024xf32, #tpu.memory_space<hbm>>
    %dma_wait3A_88 = arith.constant 0 : i32
    %dma_wait3A_89 = tpu.memref_slice %arg4[%add3A_85, %dma_wait3A_88] : memref<32768x1024xf32, #tpu.memory_space<hbm>> -> memref<16x1024xf32, #tpu.memory_space<hbm>>
    tpu.wait_dma2 semaphore(%arg16 : memref<!tpu.dma_semaphore, #tpu.memory_space<semaphore_mem>>) src(%arg6 : memref<16x1024xf32, #tpu.memory_space<vmem>>) dst(%dma_wait3A_89 : memref<16x1024xf32, #tpu.memory_space<hbm>>)
    %dma_wait3A_90 = arith.constant 63 : i32
    %dma_wait3A_91 = arith.constant 0 : i32
    %dma_wait3A_92 = tpu.memref_slice %arg5[%dma_wait3A_90, %dma_wait3A_91] : memref<64x16xi32, #tpu.memory_space<vmem>> -> memref<1x16xi32, #tpu.memory_space<vmem>>
    %dma_wait3A_93 = tpu.memref_squeeze %dma_wait3A_92 : memref<1x16xi32, #tpu.memory_space<vmem>> -> memref<16xi32, #tpu.memory_space<vmem>>
    %dma_wait3A_94 = arith.constant 0 : i32
    %dma_wait3A_95 = arith.constant 0 : i32
    %dma_wait3A_96 = tpu.memref_slice %arg3[%dma_wait3A_94, %dma_wait3A_95] : memref<8192x1024xf32, #tpu.memory_space<hbm>> -> memref<8192x1024xf32, #tpu.memory_space<hbm>>
    tpu.wait_indirect_dma semaphore(%arg14 : memref<!tpu.dma_semaphore, #tpu.memory_space<semaphore_mem>>) src(%dma_wait3A_96 : memref<8192x1024xf32, #tpu.memory_space<hbm>>) dst(%arg9 : memref<16x1024xf32, #tpu.memory_space<vmem>>)
    %add3A_97 = arith.constant 992 : i32
    %add3A_98 = arith.addi %mul3A_2, %add3A_97 : i32
    %dma_start3A_99 = arith.constant 0 : i32
    %dma_start3A_100 = tpu.memref_slice %arg4[%add3A_98, %dma_start3A_99] : memref<32768x1024xf32, #tpu.memory_space<hbm>> -> memref<16x1024xf32, #tpu.memory_space<hbm>>
    %dma_start3A_101 = arith.constant 0 : i32
    %dma_start3A_102 = tpu.memref_slice %arg4[%add3A_98, %dma_start3A_101] : memref<32768x1024xf32, #tpu.memory_space<hbm>> -> memref<16x1024xf32, #tpu.memory_space<hbm>>
    tpu.enqueue_dma source(%arg8 : memref<16x1024xf32, #tpu.memory_space<vmem>>) target(%dma_start3A_102 : memref<16x1024xf32, #tpu.memory_space<hbm>>) target_semaphore(%arg18 : memref<!tpu.dma_semaphore, #tpu.memory_space<semaphore_mem>>)
    %add3A_103 = arith.constant 976 : i32
    %add3A_104 = arith.addi %mul3A_2, %add3A_103 : i32
    %dma_wait3A_105 = arith.constant 0 : i32
    %dma_wait3A_106 = tpu.memref_slice %arg4[%add3A_104, %dma_wait3A_105] : memref<32768x1024xf32, #tpu.memory_space<hbm>> -> memref<16x1024xf32, #tpu.memory_space<hbm>>
    %dma_wait3A_107 = arith.constant 0 : i32
    %dma_wait3A_108 = tpu.memref_slice %arg4[%add3A_104, %dma_wait3A_107] : memref<32768x1024xf32, #tpu.memory_space<hbm>> -> memref<16x1024xf32, #tpu.memory_space<hbm>>
    tpu.wait_dma2 semaphore(%arg17 : memref<!tpu.dma_semaphore, #tpu.memory_space<semaphore_mem>>) src(%arg7 : memref<16x1024xf32, #tpu.memory_space<vmem>>) dst(%dma_wait3A_108 : memref<16x1024xf32, #tpu.memory_space<hbm>>)
    "tpu.region"() ({
      %run_scoped3A = tpu.sem_alloc : memref<!tpu.dma_semaphore, #tpu.memory_space<semaphore_mem>>
      %dma_start3A_127 = arith.constant 0 : i32
      %dma_start3A_128 = arith.constant 0 : i32
      %dma_start3A_129 = tpu.memref_slice %arg2[%add3A, %dma_start3A_127, %dma_start3A_128] : memref<32x64x16xi32, #tpu.memory_space<hbm>> -> memref<1x64x16xi32, #tpu.memory_space<hbm>>
      %dma_start3A_130 = tpu.memref_squeeze %dma_start3A_129 : memref<1x64x16xi32, #tpu.memory_space<hbm>> -> memref<64x16xi32, #tpu.memory_space<hbm>>
      %dma_start3A_131 = arith.constant 0 : i32
      %dma_start3A_132 = arith.constant 0 : i32
      %dma_start3A_133 = tpu.memref_slice %arg2[%add3A, %dma_start3A_131, %dma_start3A_132] : memref<32x64x16xi32, #tpu.memory_space<hbm>> -> memref<1x64x16xi32, #tpu.memory_space<hbm>>
      %dma_start3A_134 = tpu.memref_squeeze %dma_start3A_133 : memref<1x64x16xi32, #tpu.memory_space<hbm>> -> memref<64x16xi32, #tpu.memory_space<hbm>>
      tpu.enqueue_dma source(%dma_start3A_134 : memref<64x16xi32, #tpu.memory_space<hbm>>) target(%arg5 : memref<64x16xi32, #tpu.memory_space<vmem>>) target_semaphore(%run_scoped3A : memref<!tpu.dma_semaphore, #tpu.memory_space<semaphore_mem>>)
      %dma_wait3A_135 = arith.constant 0 : i32
      %dma_wait3A_136 = arith.constant 0 : i32
      %dma_wait3A_137 = tpu.memref_slice %arg2[%add3A, %dma_wait3A_135, %dma_wait3A_136] : memref<32x64x16xi32, #tpu.memory_space<hbm>> -> memref<1x64x16xi32, #tpu.memory_space<hbm>>
      %dma_wait3A_138 = tpu.memref_squeeze %dma_wait3A_137 : memref<1x64x16xi32, #tpu.memory_space<hbm>> -> memref<64x16xi32, #tpu.memory_space<hbm>>
      %dma_wait3A_139 = arith.constant 0 : i32
      %dma_wait3A_140 = arith.constant 0 : i32
      %dma_wait3A_141 = tpu.memref_slice %arg2[%add3A, %dma_wait3A_139, %dma_wait3A_140] : memref<32x64x16xi32, #tpu.memory_space<hbm>> -> memref<1x64x16xi32, #tpu.memory_space<hbm>>
      %dma_wait3A_142 = tpu.memref_squeeze %dma_wait3A_141 : memref<1x64x16xi32, #tpu.memory_space<hbm>> -> memref<64x16xi32, #tpu.memory_space<hbm>>
      tpu.wait_dma2 semaphore(%run_scoped3A : memref<!tpu.dma_semaphore, #tpu.memory_space<semaphore_mem>>) src(%dma_wait3A_142 : memref<64x16xi32, #tpu.memory_space<hbm>>) dst(%arg5 : memref<64x16xi32, #tpu.memory_space<vmem>>)
      tpu.yield
    }) : () -> ()
    %add3A_109 = arith.constant 1008 : i32
    %add3A_110 = arith.addi %mul3A_2, %add3A_109 : i32
    %dma_start3A_111 = arith.constant 0 : i32
    %dma_start3A_112 = tpu.memref_slice %arg4[%add3A_110, %dma_start3A_111] : memref<32768x1024xf32, #tpu.memory_space<hbm>> -> memref<16x1024xf32, #tpu.memory_space<hbm>>
    %dma_start3A_113 = arith.constant 0 : i32
    %dma_start3A_114 = tpu.memref_slice %arg4[%add3A_110, %dma_start3A_113] : memref<32768x1024xf32, #tpu.memory_space<hbm>> -> memref<16x1024xf32, #tpu.memory_space<hbm>>
    tpu.enqueue_dma source(%arg9 : memref<16x1024xf32, #tpu.memory_space<vmem>>) target(%dma_start3A_114 : memref<16x1024xf32, #tpu.memory_space<hbm>>) target_semaphore(%arg19 : memref<!tpu.dma_semaphore, #tpu.memory_space<semaphore_mem>>)
    %add3A_115 = arith.constant 992 : i32
    %add3A_116 = arith.addi %mul3A_2, %add3A_115 : i32
    %dma_wait3A_117 = arith.constant 0 : i32
    %dma_wait3A_118 = tpu.memref_slice %arg4[%add3A_116, %dma_wait3A_117] : memref<32768x1024xf32, #tpu.memory_space<hbm>> -> memref<16x1024xf32, #tpu.memory_space<hbm>>
    %dma_wait3A_119 = arith.constant 0 : i32
    %dma_wait3A_120 = tpu.memref_slice %arg4[%add3A_116, %dma_wait3A_119] : memref<32768x1024xf32, #tpu.memory_space<hbm>> -> memref<16x1024xf32, #tpu.memory_space<hbm>>
    tpu.wait_dma2 semaphore(%arg18 : memref<!tpu.dma_semaphore, #tpu.memory_space<semaphore_mem>>) src(%arg8 : memref<16x1024xf32, #tpu.memory_space<vmem>>) dst(%dma_wait3A_120 : memref<16x1024xf32, #tpu.memory_space<hbm>>)
    %add3A_121 = arith.constant 1008 : i32
    %add3A_122 = arith.addi %mul3A_2, %add3A_121 : i32
    %dma_wait3A_123 = arith.constant 0 : i32
    %dma_wait3A_124 = tpu.memref_slice %arg4[%add3A_122, %dma_wait3A_123] : memref<32768x1024xf32, #tpu.memory_space<hbm>> -> memref<16x1024xf32, #tpu.memory_space<hbm>>
    %dma_wait3A_125 = arith.constant 0 : i32
    %dma_wait3A_126 = tpu.memref_slice %arg4[%add3A_122, %dma_wait3A_125] : memref<32768x1024xf32, #tpu.memory_space<hbm>> -> memref<16x1024xf32, #tpu.memory_space<hbm>>
    tpu.wait_dma2 semaphore(%arg19 : memref<!tpu.dma_semaphore, #tpu.memory_space<semaphore_mem>>) src(%arg9 : memref<16x1024xf32, #tpu.memory_space<vmem>>) dst(%dma_wait3A_126 : memref<16x1024xf32, #tpu.memory_space<hbm>>)
    return
  }
}

</mosaic_0001>

<sc_bundles>
// kernel: kernel.3.cloned.1.call-start
scs
__scs_entry_jumppad:
0x0: {  	(pc) =	sbr.rel $0x88, $3  }
0x1: {  	(tag) =	ssettag $0x0;
	lr =	simm.s32 $0x1  }
0x2: {  	[smem:$0x3F9F] =	sst lr;
	_ =	strace $0xD0000000  }
0x3: {  	_ = 	snop  }
0x4: {  	_ = 	snop  }
0x5: {  	_ = 	snop  }
0x6: {  	_ = 	snop  }
0x7: {  	_ = 	snop  }
__scs_overlays_trampoline_lowered:
0x8: {  	[smem:$0x3FAE] =	sst s0  }
0x9: {  	[smem:$0x3FAF] =	sst s1  }
0xa: {  	[smem:$0x3FB0] =	sst s2  }
0xb: {  	[smem:$0x3FB1] =	sst s3  }
0xc: {  	[smem:$0x3FB2] =	sst s4  }
0xd: {  	[smem:$0x3FB3] =	sst s5  }
0xe: {  	[smem:$0x3FB4] =	sst s6  }
0xf: {  	[smem:$0x3FB5] =	sst s7  }
0x10: {  	[smem:$0x3FB6] =	sst s8  }
0x11: {  	[smem:$0x3FB7] =	sst s9;
	s0 =	simm.s32 @!p0 $0x0  }
0x12: {  	s1 =	sld [smem:$0x3F9D];
	s0 =	simm.s32 @p0 $0x1  }
0x13: {  	[smem:$0x3FB8] =	sst s0;
	s0 =	simm.s32 @!p1 $0x0  }
0x14: {  	s2 =	sld [smem:$0x3F9C];
	s0 =	simm.s32 @p1 $0x1  }
0x15: {  	[smem:$0x3FB9] =	sst s0;
	s0 =	simm.s32 @!p2 $0x0  }
0x16: {  	s3 =	sld [smem:$0x3FDB];
	s0 =	simm.s32 @p2 $0x1  }
0x17: {  	s4 =	simm.s32 $0x1BF5;
	[smem:$0x3FBB] =	sst s0  }
0x18: {  	s0 =	sld [smem:$0x3F9E];
	_ =	swait.ge [sflag:s4], $0x0  }
0x19: {  	s7 =	sld [smem:$0x3F9F]  }
0x1a: {  	s8 =	sadd.s32 $0xFFFFE003, lr  }
0x1b: {  	s9 =	sadd.s32 $0xFFFFFEF7, lr;
	s5 =	simm.s32 $0xFFFFFFFF;
	p2 =	slt.u32 s8, $0xFFFFF086  }
0x1c: {  	p1 =	slt.u32 s9, $0xF7A;
	s5 =	simm.s32 @!p2 $0x0  }
0x1d: {  	s5 =	simm.s32 @p1 $0x1;
	p0 =	seq.s32 s7, s2  }
0x1e: {  	s7 =	smul.u32 @!p0 $0xF7A, s2;
	p2 =	seq.s32 @!p0 s5, $0x0  }
0x1f: {  	s9 =	smul.u32 $0xF7A, s1;
	s8 =	simm.s32 @!p0 $0x1BF5;
	p2 =	por !p2, p0  }
0x20: {  	[sflag:s8] =	ssyncset.s32 @!p0 $0xFFFFF086;
	s6 =	sadd.s32 @!p0 s3, s7;
	s7 =	simm.s32 @!p0 $0x108  }
0x21: {  	s3 =	sadd.s32 s3, s9;
	s6 =	sadd.s32 @!p0 $0x88, s6;
	s7 =	simm.s32 @p2 $0x1082  }
0x22: {  	[simem:s7], [sflag:s8] =	dma.local @!p0 [hbm:s6], $0xF7A  }
0x23: {  	s9 =	sor.u32 $0xD0000000, s2;
	s6 =	simm.s32 $0x108;
	_ =	swait.ge @!p0 [sflag:s8], $0x0  }
0x24: {  	s3 =	sadd.s32 $0x88, s3;
	s6 =	simm.s32 @!p1 $0x1082;
	[sflag:s4] =	ssyncset.s32 $0xFFFFF086  }
0x25: {  	[simem:s6], [sflag:s4] =	dma.local [hbm:s3], $0xF7A  }
0x26: {  	[smem:$0x3F9F] =	sst s1;
	(tag) =	ssettag s2;
	_ =	strace s9  }
0x27: {  	s1 =	sld [smem:$0x3FAF]  }
0x28: {  	s2 =	sld [smem:$0x3FB0]  }
0x29: {  	s4 =	sld [smem:$0x3FB2]  }
0x2a: {  	p0 =	seq.s32 s5, $0x0;
	s5 =	sld [smem:$0x3FB3]  }
0x2b: {  	s6 =	sld [smem:$0x3FB4]  }
0x2c: {  	s7 =	sld [smem:$0x3FB5]  }
0x2d: {  	s3 =	simm.s32 $0x108;
	s8 =	sld [smem:$0x3FB6]  }
0x2e: {  	s3 =	simm.s32 @!p0 $0x1082;
	s9 =	sld [smem:$0x3FB7]  }
0x2f: {  	lr =	sadd.s32 s0, s3;
	s0 =	sld [smem:$0x3FAE]  }
0x30: {  	s3 =	sld [smem:$0x3FB1]  }
0x31: {  	[smem:$0x3FBA] =	sst s10  }
0x32: {  	s10 =	sld [smem:$0x3FB8];
	_ =	sdelay $0x3  }
0x33: {  	p0 =	seq.s32 s10, $0x1;
	s10 =	sld [smem:$0x3FBA];
	_ =	sdelay $0x3  }
0x34: {  	[smem:$0x3FBA] =	sst s10  }
0x35: {  	s10 =	sld [smem:$0x3FB9];
	_ =	sdelay $0x3  }
0x36: {  	p1 =	seq.s32 s10, $0x1;
	s10 =	sld [smem:$0x3FBA];
	_ =	sdelay $0x3  }
0x37: {  	[smem:$0x3FBA] =	sst s10  }
0x38: {  	s10 =	sld [smem:$0x3FBB]  }
0x39: {  	_ = 	snop;
	(pc) =	sbr.ind lr, $3  }
0x3a: {  	_ = 	snop  }
0x3b: {  	_ = 	snop  }
0x3c: {  	p2 =	seq.s32 s10, $0x1;
	s10 =	sld [smem:$0x3FBA]  }
0x3d: {  	_ =	shalt  }
0x3e: {  	_ =	shalt  }
0x3f: {  	_ =	shalt  }
0x40: {  	_ =	shalt  }
0x41: {  	_ =	shalt  }
0x42: {  	_ =	shalt  }
0x43: {  	_ =	shalt  }
0x44: {  	_ =	shalt  }
0x45: {  	_ =	shalt  }
0x46: {  	_ =	shalt  }
0x47: {  	_ =	shalt  }
0x48: {  	_ =	shalt  }
0x49: {  	_ =	shalt  }
0x4a: {  	_ =	shalt  }
0x4b: {  	_ =	shalt  }
0x4c: {  	_ =	shalt  }
0x4d: {  	_ =	shalt  }
0x4e: {  	_ =	shalt  }
0x4f: {  	_ =	shalt  }
0x50: {  	_ =	shalt  }
0x51: {  	_ =	shalt  }
0x52: {  	_ =	shalt  }
0x53: {  	_ =	shalt  }
0x54: {  	_ =	shalt  }
0x55: {  	_ =	shalt  }
0x56: {  	_ =	shalt  }
0x57: {  	_ =	shalt  }
0x58: {  	_ =	shalt  }
0x59: {  	_ =	shalt  }
0x5a: {  	_ =	shalt  }
0x5b: {  	_ =	shalt  }
0x5c: {  	_ =	shalt  }
0x5d: {  	_ =	shalt  }
0x5e: {  	_ =	shalt  }
0x5f: {  	_ =	shalt  }
0x60: {  	_ =	shalt  }
0x61: {  	_ =	shalt  }
0x62: {  	_ =	shalt  }
0x63: {  	_ =	shalt  }
0x64: {  	_ =	shalt  }
0x65: {  	_ =	shalt  }
0x66: {  	_ =	shalt  }
0x67: {  	_ =	shalt  }
0x68: {  	_ =	shalt  }
0x69: {  	_ =	shalt  }
0x6a: {  	_ =	shalt  }
0x6b: {  	_ =	shalt  }
0x6c: {  	_ =	shalt  }
0x6d: {  	_ =	shalt  }
0x6e: {  	_ =	shalt  }
0x6f: {  	_ =	shalt  }
0x70: {  	_ =	shalt  }
0x71: {  	_ =	shalt  }
0x72: {  	_ =	shalt  }
0x73: {  	_ =	shalt  }
0x74: {  	_ =	shalt  }
0x75: {  	_ =	shalt  }
0x76: {  	_ =	shalt  }
0x77: {  	_ =	shalt  }
0x78: {  	_ =	shalt  }
0x79: {  	_ =	shalt  }
0x7a: {  	_ =	shalt  }
0x7b: {  	_ =	shalt  }
0x7c: {  	_ =	shalt  }
0x7d: {  	_ =	shalt  }
0x7e: {  	_ =	shalt  }
0x7f: {  	_ =	shalt  }
0x80: {  	_ =	shalt  }
0x81: {  	_ =	shalt  }
0x82: {  	_ =	shalt  }
0x83: {  	_ =	shalt  }
0x84: {  	_ =	shalt  }
0x85: {  	_ =	shalt  }
0x86: {  	_ =	shalt  }
0x87: {  	_ =	shalt  }
.Lfunc_end0:
.L_simem_size_0:
called_computation_lowered:
.L_overlay_start_0:
0x88: {  	s2 =	sld [smem:$0x3FD9]  }
0x89: {  	s3 =	sld [smem:$0x3FFE];
	_ =	sdelay $0x1  }
0x8a: {  	s1 =	srdreg.scid  }
0x8b: {  	s0 =	sand.u32 $0x1, s1  }
0x8c: {  	s17 =	sshll.u32 s0, $0xA;
	s2 =	sadd.s32 s3, s2  }
0x8d: {  	s2 =	sadd.s32 s2, s17  }
0x8e: {  	[smem:$0x3FC6] =	sst s2  }
0x8f: {  	_ = 	snop  }
0x90: {  	s2 =	sld [smem:$0x3FC8]  }
0x91: {  	s18 =	sld [smem:$0x3FD0];
	(tm) =	ssettm $0x1  }
0x92: {  	s4 =	sld [smem:$0x3FFB];
	_ =	sdelay $0x3  }
0x93: {  	_ =	strace s4  }
0x94: {  	s4 =	sld [smem:$0x3FFC];
	_ =	sdelay $0x3  }
0x95: {  	_ =	strace s4  }
0x96: {  	s4 =	sld [smem:$0x3FFD];
	_ =	sdelay $0x3  }
0x97: {  	_ =	strace s4  }
0x98: {  	_ =	strace $0x8FFFFFFF  }
0x99: {  	s19 =	sld [smem:$0x3FDB];
	_ =	sdelay $0x1  }
0x9a: {  	s5 =	simm.s32 $_scs_section_size  }
0x9b: {  	s6 =	simm.s32 $_size__tile_overlayer_lowered;
	s7 =	simm.s32 $_tile_overlayer_lowered  }
0x9c: {  	s22 =	simm.s32 $0x1BFF;
	s21 =	sshll.u32 s7, $0x1;
	s4 =	sadd.s32 s5, s19  }
0x9d: {  	s8 =	simm.s32 $0x0;
	s20 =	sshll.u32 s6, $0x1;
	s6 =	sadd.s32 s21, s4  }
0x9e: {  	[timem:s8], [sflag:s22] =	dma.local [hbm:s6], s20  }
0x9f: {  	_ =	swait.ge [sflag:s22], s20  }
0xa0: {  	s5 =	ssub.s32 $0x0, s20;
	[sflag:s22] =	ssyncset.done $0x0  }
0xa1: {  	[sflag:s22] =	ssyncadd.s32 s5;
	_ =	sdelay $0x1  }
0xa2: {  	s23 =	simm.s32 $0x1B8B  }
0xa3: {  	_ =	swait.ge [sflag:s23], $0x1  }
0xa4: {  	[sflag:s23] =	ssyncset.done $0x0  }
0xa5: {  	s25 =	simm.s32 $0x1B8E;
	s24 =	sld [smem:$0x3FFE];
	[sflag:s23] =	ssyncadd.s32 $0xFFFFFFFF  }
0xa6: {  	s26 =	simm.s32 $execute0_lowered;
	[smem:$0x3FD2] =	sst s25  }
0xa7: {  	s6 =	sshll.u32 s26, $0x1;
	_ =	strace $0x80000046;
	[dreg:$0x1] =	wrdreg $0xFFFFFFFF  }
0xa8: {  	s28 =	simm.s32 $_size_execute0_lowered;
	s4 =	sadd.s32 s4, s6;
	[dreg:$0x0] =	wrdreg $0x0  }
0xa9: {  	s6 =	sshll.u32 s28, $0x1;
	[dreg:$0x2] =	wrdreg s4  }
0xaa: {  	[dreg:$0x3] =	wrdreg s6  }
0xab: {  	[dreg:$0x4] =	wrdreg $0xC0  }
0xac: {  	_ =	task [dreg:s8], $0x5FFFF  }
0xad: {  	[dreg:$0x1] =	wrdreg $0xFFFFFFFF  }
0xae: {  	[dreg:$0x0] =	wrdreg $0x60  }
0xaf: {  	[dreg:$0x2] =	wrdreg s24  }
0xb0: {  	[dreg:$0x3] =	wrdreg s2  }
0xb1: {  	[dreg:$0x4] =	wrdreg s18  }
0xb2: {  	[dreg:$0x5] =	wrdreg $0x9  }
0xb3: {  	_ =	task.clear_ibuf [dreg:s8], $0x6FFFF;
	_ =	strace $0x90000046  }
0xb4: {  	s29 =	simm.s32 $0x9;
	_ =	strace $0x80000048  }
0xb5: {  	_ =	swait.ge [sflag:s29], $0x1  }
0xb6: {  	[sflag:s29] =	ssyncadd.s32 $0xFFFFFFFF  }
0xb7: {  	_ =	strace $0x90000048  }
0xb8: {  	_ =	sfence  }
0xb9: {  	s30 =	sld [smem:$0x0];
	_ =	sdelay $0x2  }
0xba: {  	s31 =	sshll.u32 s1, $0xD;
	s1 =	sshrl.u32 s1, $0x2  }
0xbb: {  	s3 =	sand.u32 $0x4000, s31;
	s1 =	sadd.s32 s1, s30  }
0xbc: {  	s0 =	sor.u32 s3, s0;
	s1 =	sshll.u32 s1, $0x11  }
0xbd: {  	s0 =	sor.u32 s1, s0  }
0xbe: {  	s0 =	sadd.s32 $0x8F2B, s0  }
0xbf: {  	[sflag:s0] =	ssyncadd.remote.s32 $0x1  }
0xc0: {  	_ =	sfence.sel $0xFFFF  }
0xc1: {  	[dreg:$0x0] =	wrdreg $0xFFFFFFFF;
	(pc) =	sbr.abs _section_cstart, $3  }
0xc2: {  	[dreg:$0x1] =	wrdreg $0xFFFFFFFF  }
0xc3: {  	_ =	task.clear_ibuf [dreg:s8], $0x2FFFF;
	_ =	strace $0x9FFFFFFF  }
0xc4: {  	(tm) =	ssettm $0x7FFFFFFF  }
0xc5: {  	_ =	shalt  }
tec
execute0_lowered:
.L_overlay_start_1:
0x0: {  	(tag) =	ssettag $0x1  }
0x1: {  	s0 =	rddreg [dreg:$0x0]  }
0x2: {  	s2 =	rddreg [dreg:$0x1]  }
0x3: {  	s23 =	rddreg [dreg:$0x2]  }
0x4: {  	s1 =	srdreg.scid;
	s11 =	stileid.u32  }
0x5: {  	s4 =	simm.s32 $0x0;
	s14 =	simm.s32 $0x12800;
	s29 =	simm.s32 $0x2000  }
0x6: {  	s15 =	simm.s32 $0x13000;
	s22 =	simm.s32 $0x2800;
	s18 =	simm.s32 $0x13800  }
0x7: {  	s19 =	simm.s32 $0x14000;
	s20 =	simm.s32 $0x14800;
	s21 =	simm.s32 $0x15000  }
0x8: {  	s28 =	simm.s32 $0x5000;
	s30 =	simm.s32 $0x7800;
	[smem:$0x7FF] =	sst s4  }
0x9: {  	s31 =	simm.s32 $0x3;
	_ =	strace $0x80000047;
	[dreg:$0x5] =	wrdreg s14  }
0xa: {  	s1 =	sand.u32 $0x1, s1;
	s3 =	sshll.u32 s11, $0x1;
	[dreg:$0x6] =	wrdreg s15  }
0xb: {  	s8 =	sadd.s32 $0x200, s2;
	s9 =	sadd.s32 $0x300, s2;
	[dreg:$0x7] =	wrdreg s18  }
0xc: {  	s26 =	sshll.u32 s11, $0x15;
	s3 =	sor.u32 s1, s3;
	[dreg:$0x8] =	wrdreg s19  }
0xd: {  	s6 =	ssub.s32 $0x2, s1;
	s10 =	sshll.u32 s1, $0x14;
	[dreg:$0x9] =	wrdreg s20  }
0xe: {  	s1 =	sshll.u32 s1, $0x11;
	s19 =	simm.s32 $0x4000;
	[dreg:$0xa] =	wrdreg s21  }
0xf: {  	s20 =	simm.s32 $0x2;
	s21 =	simm.s32 $0xE000;
	s14 =	simm.s32 $0x5  }
0x10: {  	s15 =	simm.s32 $0x8;
	s18 =	simm.s32 $0x0;
	s5 =	sshll.u32 s3, $0xA  }
0x11: {  	s7 =	sshrl.u32 s6, $0x1;
	s3 =	sshll.u32 s3, $0x11;
	[dreg:$0x14] =	wrdreg s18  }
0x12: {  	s18 =	simm.s32 $0x7000;
	[dreg:$0x13] =	wrdreg s5;
	s24 =	sadd.s32 s3, s23  }
0x13: {  	s0 =	sadd.s32 s5, s0;
	s6 =	ssub.s32 s6, s7;
	s3 =	sadd.s32 $0x1D800, s24  }
0x14: {  	s7 =	sadd.s32 $0x100, s2;
	s25 =	sadd.s32 $0x1E000, s24;
	[dreg:$0xd] =	wrdreg s3  }
0x15: {  	s17 =	sadd.s32 $0x400, s0;
	s12 =	sadd.s32 $0x1E800, s24;
	[dreg:$0xe] =	wrdreg s25  }
0x16: {  	s5 =	sadd.s32 $0x1F000, s24;
	s0 =	sadd.s32 $0x1F800, s24;
	[dreg:$0xf] =	wrdreg s12  }
0x17: {  	s6 =	smax.u32 s6, $0x1;
	s24 =	simm.s32 $0x3000;
	[dreg:$0x10] =	wrdreg s5  }
0x18: {  	s3 =	sor.u32 s10, s26;
	[dreg:$0x11] =	wrdreg s0;
	s12 =	sshll.u32 s11, $0x12  }
0x19: {  	[dreg:$0x12] =	wrdreg s6;
	s6 =	simm.s32 $0xB;
	s25 =	simm.s32 $0x4800  }
0x1a: {  	s26 =	simm.s32 $0x15800;
	s5 =	simm.s32 $0x6800;
	s11 =	simm.s32 $0x1  }
0x1b: {  	s10 =	simm.s32 $0x4;
	[dreg:$0xc] =	wrdreg s17;
	s3 =	sor.u32 $0x4000, s3  }
0x1c: {  	s0 =	sadd.s32 s12, s23;
	[dreg:$0xb] =	wrdreg s26;
	s26 =	simm.s32 $0x6000  }
0x1d: {  	v2 =	vlaneseq.u32;
	s12 =	simm.s32 $0xA000;
	s3 =	sshrl.u32 s3, $0x3;
	s16 =	sadd.s32 s1, s0  }
0x1e: {  	vm0 =	vmmov $0xffff;
	v1 =	vshrl.u32 v2, $0x3;
	s1 =	simm.s32 $0x5800;
	s0 =	simm.s32 $0x6;
	s13 =	sadd.s32 s3, s23  }
0x1f: {  	v0 =	vand.u32 $0x7, v2;
	v2 =	vor.u32 $0x8, v2;
	v1 =	vmul.u32 $0x8, v1;
	s3 =	simm.s32 $0x3800;
	[dreg:$0x4] =	wrdreg s13;
	s13 =	simm.s32 $0x7  }
.LBB2_1:
0x20: {  	[tilespmem:s4], [sflag:$0xB] =	stream.linear.gather [hbm4b:s17+s4], $0x2000, $0x38;
	[tilespmem:$0x16000] =	vst v63  }
0x21: {  	_ =	swait.ge [sflag:s6], $0x2000  }
0x22: {  	[sflag:s6] =	ssyncset.done $0x0  }
0x23: {  	[sflag:s6] =	ssyncadd.s32 $0xFFFFE000  }
0x24: {  	[tilespmem:s4], [sflag:$0xB] =	stream.linear.gather [hbm4b:s17+s4], $0x2000, $0x38;
	[tilespmem:$0x16000] =	vst v63  }
0x25: {  	_ =	swait.ge [sflag:s6], $0x2000  }
0x26: {  	[sflag:s6] =	ssyncset.done $0x0  }
0x27: {  	[sflag:s6] =	ssyncadd.s32 $0xFFFFE000  }
0x28: {  	v3 =	vld [tilespmem:$0x0];
	_ =	sdelay $0x4  }
0x29: {  	v4 =	vshll.u32 v3, $0x3  }
0x2a: {  	v3 =	vand.u32 $0x7, v3;
	v4 =	vand.u32 $0xFFFFFFC0, v4  }
0x2b: {  	v3 =	vor.u32 v3, v4  }
0x2c: {  	v4 =	vperm.xlane v3, v0;
	_ =	sdelay $0x1  }
0x2d: {  	v4 =	vadd.s32 v1, v4;
	_ =	sdelay $0x4  }
0x2e: {  	[tilespmem:s29], [sflag:$0x1] =	stream.indirect_vreg.gather [hbm4b:s2+s4], $0x80, v4, vm0, $0xb8;
	[tilespmem:$0x16000] =	vst v63  }
0x2f: {  	v3 =	vperm.xlane v3, v2  }
0x30: {  	[tilespmem:s22], [sflag:$0x1] =	stream.indirect_vreg.gather [hbm4b:s7+s4], $0x80, v4, vm0, $0xb8;
	[tilespmem:$0x16000] =	vst v63  }
0x31: {  	v3 =	vadd.s32 v1, v3  }
0x32: {  	[tilespmem:s24], [sflag:$0x1] =	stream.indirect_vreg.gather [hbm4b:s8+s4], $0x80, v4, vm0, $0xb8;
	[tilespmem:$0x16000] =	vst v63  }
0x33: {  	_ = 	snop  }
0x34: {  	[tilespmem:s3], [sflag:$0x1] =	stream.indirect_vreg.gather [hbm4b:s9+s4], $0x80, v4, vm0, $0xb8;
	[tilespmem:$0x16000] =	vst v63  }
0x35: {  	_ = 	snop  }
0x36: {  	[tilespmem:s19], [sflag:$0x1] =	stream.indirect_vreg.gather [hbm4b:s2+s4], $0x80, v3, vm0, $0xb8;
	[tilespmem:$0x16000] =	vst v63  }
0x37: {  	_ = 	snop  }
0x38: {  	[tilespmem:s25], [sflag:$0x1] =	stream.indirect_vreg.gather [hbm4b:s7+s4], $0x80, v3, vm0, $0xb8;
	[tilespmem:$0x16000] =	vst v63  }
0x39: {  	_ = 	snop  }
0x3a: {  	[tilespmem:s28], [sflag:$0x1] =	stream.indirect_vreg.gather [hbm4b:s8+s4], $0x80, v3, vm0, $0xb8;
	[tilespmem:$0x16000] =	vst v63  }
0x3b: {  	_ = 	snop  }
0x3c: {  	[tilespmem:s1], [sflag:$0x1] =	stream.indirect_vreg.gather [hbm4b:s9+s4], $0x80, v3, vm0, $0xb8;
	[tilespmem:$0x16000] =	vst v63  }
0x3d: {  	v3 =	vld [tilespmem:$0x80];
	_ =	sdelay $0x4  }
0x3e: {  	v63 =	vshll.u32 v3, $0x3  }
0x3f: {  	v3 =	vand.u32 $0x7, v3;
	v4 =	vand.u32 $0xFFFFFFC0, v63  }
0x40: {  	v3 =	vor.u32 v3, v4  }
0x41: {  	v4 =	vperm.xlane v3, v0;
	_ =	sdelay $0x1  }
0x42: {  	v4 =	vadd.s32 v1, v4;
	_ =	sdelay $0x4  }
0x43: {  	[tilespmem:s26], [sflag:$0x2] =	stream.indirect_vreg.gather [hbm4b:s2+s4], $0x80, v4, vm0, $0xb8;
	[tilespmem:$0x16000] =	vst v63  }
0x44: {  	v3 =	vperm.xlane v3, v2  }
0x45: {  	[tilespmem:s5], [sflag:$0x2] =	stream.indirect_vreg.gather [hbm4b:s7+s4], $0x80, v4, vm0, $0xb8;
	[tilespmem:$0x16000] =	vst v63  }
0x46: {  	v3 =	vadd.s32 v1, v3  }
0x47: {  	[tilespmem:s18], [sflag:$0x2] =	stream.indirect_vreg.gather [hbm4b:s8+s4], $0x80, v4, vm0, $0xb8;
	[tilespmem:$0x16000] =	vst v63  }
0x48: {  	_ = 	snop  }
0x49: {  	[tilespmem:s30], [sflag:$0x2] =	stream.indirect_vreg.gather [hbm4b:s9+s4], $0x80, v4, vm0, $0xb8;
	[tilespmem:$0x16000] =	vst v63  }
0x4a: {  	s17 =	simm.s32 $0x0;
	s24 =	simm.s32 $0x8000  }
0x4b: {  	[tilespmem:s24], [sflag:$0x2] =	stream.indirect_vreg.gather [hbm4b:s2+s4], $0x80, v3, vm0, $0xb8;
	[tilespmem:$0x16000] =	vst v63  }
0x4c: {  	s6 =	simm.s32 $0x300;
	s29 =	simm.s32 $0x9000;
	s25 =	simm.s32 $0x8800  }
0x4d: {  	[tilespmem:s25], [sflag:$0x2] =	stream.indirect_vreg.gather [hbm4b:s7+s4], $0x80, v3, vm0, $0xb8;
	[tilespmem:$0x16000] =	vst v63  }
0x4e: {  	s3 =	simm.s32 $0x0;
	s28 =	simm.s32 $0x9800;
	s5 =	simm.s32 $0x7800  }
0x4f: {  	[tilespmem:s29], [sflag:$0x2] =	stream.indirect_vreg.gather [hbm4b:s8+s4], $0x80, v3, vm0, $0xb8;
	[tilespmem:$0x16000] =	vst v63  }
0x50: {  	s18 =	rddreg [dreg:$0x13];
	s30 =	simm.s32 $0x12000;
	s25 =	simm.s32 $0x7000  }
0x51: {  	[tilespmem:s28], [sflag:$0x2] =	stream.indirect_vreg.gather [hbm4b:s9+s4], $0x80, v3, vm0, $0xb8;
	[tilespmem:$0x16000] =	vst v63  }
.LBB2_2:
0x52: {  	_ =	swait.ge [sflag:s11], $0x4000;
	p0 =	seq.s32 s17, $0x0;
	s24 =	smov.u32 s23  }
0x53: {  	[sflag:s11] =	ssyncset.done $0x0;
	s19 =	sadd.s32 @!p0 s17, s16;
	s22 =	simm.s32 @!p0 $0x0  }
0x54: {  	s23 =	simm.s32 @!p0 $0x12000;
	[sflag:s11] =	ssyncadd.s32 $0xFFFFC000;
	s19 =	sadd.s32 @!p0 $0xFFFFF800, s19  }
0x55: {  	[hbm4b:s19+s22] =	stream.linear.scatter @!p0 [tilespmem:s23], [sflag:$0xA], $0x4000, $0x38;
	[tilespmem:$0x16000] =	vst v63  }
0x56: {  	s19 =	simm.s32 @!p0 $0x9  }
0x57: {  	_ =	swait.ge @!p0 [sflag:s19], $0x4000  }
0x58: {  	[sflag:s19] =	ssyncset.done @!p0 $0x0  }
0x59: {  	[sflag:s19] =	ssyncadd.s32 @!p0 $0xFFFFC000  }
0x5a: {  	v3 =	vld [tilespmem:s6+$0xFFFFFE00];
	_ =	sdelay $0x4  }
0x5b: {  	v4 =	vshll.u32 v3, $0x3  }
0x5c: {  	v3 =	vand.u32 $0x7, v3;
	v4 =	vand.u32 $0xFFFFFFC0, v4  }
0x5d: {  	v3 =	vor.u32 v3, v4  }
0x5e: {  	v4 =	vperm.xlane v3, v0;
	_ =	sdelay $0x1  }
0x5f: {  	v4 =	vadd.s32 v1, v4;
	_ =	sdelay $0x4  }
0x60: {  	[tilespmem:s12], [sflag:$0x3] =	stream.indirect_vreg.gather [hbm4b:s2+s4], $0x80, v4, vm0, $0xb8;
	[tilespmem:$0x16000] =	vst v63  }
0x61: {  	s1 =	simm.s32 $0xA800;
	v3 =	vperm.xlane v3, v2  }
0x62: {  	[tilespmem:s1], [sflag:$0x3] =	stream.indirect_vreg.gather [hbm4b:s7+s4], $0x80, v4, vm0, $0xb8;
	[tilespmem:$0x16000] =	vst v63  }
0x63: {  	s22 =	simm.s32 $0xB000;
	v3 =	vadd.s32 v1, v3  }
0x64: {  	[tilespmem:s22], [sflag:$0x3] =	stream.indirect_vreg.gather [hbm4b:s8+s4], $0x80, v4, vm0, $0xb8;
	[tilespmem:$0x16000] =	vst v63  }
0x65: {  	s19 =	simm.s32 $0xB800  }
0x66: {  	[tilespmem:s19], [sflag:$0x3] =	stream.indirect_vreg.gather [hbm4b:s9+s4], $0x80, v4, vm0, $0xb8;
	[tilespmem:$0x16000] =	vst v63  }
0x67: {  	s22 =	simm.s32 $0xC000  }
0x68: {  	[tilespmem:s22], [sflag:$0x3] =	stream.indirect_vreg.gather [hbm4b:s2+s4], $0x80, v3, vm0, $0xb8;
	[tilespmem:$0x16000] =	vst v63  }
0x69: {  	s19 =	simm.s32 $0xC800  }
0x6a: {  	[tilespmem:s19], [sflag:$0x3] =	stream.indirect_vreg.gather [hbm4b:s7+s4], $0x80, v3, vm0, $0xb8;
	[tilespmem:$0x16000] =	vst v63  }
0x6b: {  	s22 =	simm.s32 $0xD000;
	s19 =	smov.u32 s3  }
0x6c: {  	[tilespmem:s22], [sflag:$0x3] =	stream.indirect_vreg.gather [hbm4b:s8+s4], $0x80, v3, vm0, $0xb8;
	[tilespmem:$0x16000] =	vst v63  }
0x6d: {  	s19 =	simm.s32 @p0 $0x0;
	s22 =	simm.s32 $0xD800  }
0x6e: {  	[tilespmem:s22], [sflag:$0x3] =	stream.indirect_vreg.gather [hbm4b:s9+s4], $0x80, v3, vm0, $0xb8;
	[tilespmem:$0x16000] =	vst v63  }
0x6f: {  	s19 =	sadd.s32 s18, s19;
	_ =	swait.ge [sflag:s20], $0x4000  }
0x70: {  	s23 =	smov.u32 s24;
	s19 =	sshll.u32 s19, $0x7;
	[sflag:s20] =	ssyncset.done $0x0  }
0x71: {  	s1 =	simm.s32 $0x2000;
	s19 =	sadd.s32 s23, s19;
	[sflag:s20] =	ssyncadd.s32 $0xFFFFC000  }
0x72: {  	[hbm4b:s19+s4] =	stream.linear.scatter [tilespmem:s1], [sflag:$0x6], $0x4000, $0x38;
	[tilespmem:$0x16000] =	vst v63  }
0x73: {  	s19 =	simm.s32 @!p0 $0xA  }
0x74: {  	_ =	swait.ge @!p0 [sflag:s19], $0x4000  }
0x75: {  	[sflag:s19] =	ssyncset.done @!p0 $0x0  }
0x76: {  	[sflag:s19] =	ssyncadd.s32 @!p0 $0xFFFFC000  }
0x77: {  	v3 =	vld [tilespmem:s6+$0xFFFFFE80];
	_ =	sdelay $0x4  }
0x78: {  	v60 =	vshll.u32 v3, $0x3  }
0x79: {  	v3 =	vand.u32 $0x7, v3;
	v4 =	vand.u32 $0xFFFFFFC0, v60  }
0x7a: {  	v3 =	vor.u32 v3, v4  }
0x7b: {  	v4 =	vperm.xlane v3, v0;
	_ =	sdelay $0x1  }
0x7c: {  	v4 =	vadd.s32 v1, v4;
	_ =	sdelay $0x4  }
0x7d: {  	[tilespmem:s21], [sflag:$0x4] =	stream.indirect_vreg.gather [hbm4b:s2+s4], $0x80, v4, vm0, $0xb8;
	[tilespmem:$0x16000] =	vst v63  }
0x7e: {  	s22 =	simm.s32 $0xE800;
	v3 =	vperm.xlane v3, v2  }
0x7f: {  	[tilespmem:s22], [sflag:$0x4] =	stream.indirect_vreg.gather [hbm4b:s7+s4], $0x80, v4, vm0, $0xb8;
	[tilespmem:$0x16000] =	vst v63  }
0x80: {  	v3 =	vadd.s32 v1, v3;
	s22 =	simm.s32 $0xF000  }
0x81: {  	[tilespmem:s22], [sflag:$0x4] =	stream.indirect_vreg.gather [hbm4b:s8+s4], $0x80, v4, vm0, $0xb8;
	[tilespmem:$0x16000] =	vst v63  }
0x82: {  	s22 =	simm.s32 $0xF800  }
0x83: {  	[tilespmem:s22], [sflag:$0x4] =	stream.indirect_vreg.gather [hbm4b:s9+s4], $0x80, v4, vm0, $0xb8;
	[tilespmem:$0x16000] =	vst v63  }
0x84: {  	s22 =	simm.s32 $0x10000  }
0x85: {  	[tilespmem:s22], [sflag:$0x4] =	stream.indirect_vreg.gather [hbm4b:s2+s4], $0x80, v3, vm0, $0xb8;
	[tilespmem:$0x16000] =	vst v63  }
0x86: {  	s22 =	simm.s32 $0x10800  }
0x87: {  	[tilespmem:s22], [sflag:$0x4] =	stream.indirect_vreg.gather [hbm4b:s7+s4], $0x80, v3, vm0, $0xb8;
	[tilespmem:$0x16000] =	vst v63  }
0x88: {  	s22 =	simm.s32 $0x11000  }
0x89: {  	[tilespmem:s22], [sflag:$0x4] =	stream.indirect_vreg.gather [hbm4b:s8+s4], $0x80, v3, vm0, $0xb8;
	[tilespmem:$0x16000] =	vst v63  }
0x8a: {  	s22 =	simm.s32 $0x11800  }
0x8b: {  	[tilespmem:s22], [sflag:$0x4] =	stream.indirect_vreg.gather [hbm4b:s9+s4], $0x80, v3, vm0, $0xb8;
	[tilespmem:$0x16000] =	vst v63  }
0x8c: {  	_ =	swait.ge [sflag:s31], $0x4000  }
0x8d: {  	s22 =	rddreg [dreg:$0x4];
	[sflag:s31] =	ssyncset.done $0x0  }
0x8e: {  	[sflag:s31] =	ssyncadd.s32 $0xFFFFC000;
	s19 =	sadd.s32 s17, s22  }
0x8f: {  	[hbm4b:s19+s4] =	stream.linear.scatter [tilespmem:s26], [sflag:$0x7], $0x4000, $0x38;
	[tilespmem:$0x16000] =	vst v63  }
0x90: {  	_ =	swait.ge [sflag:s0], $0x4000  }
0x91: {  	[sflag:s0] =	ssyncset.done $0x0  }
0x92: {  	[sflag:s0] =	ssyncadd.s32 $0xFFFFC000  }
0x93: {  	v3 =	vld [tilespmem:s6+$0xFFFFFF00];
	_ =	sdelay $0x4  }
0x94: {  	v61 =	vshll.u32 v3, $0x3  }
0x95: {  	v3 =	vand.u32 $0x7, v3;
	v4 =	vand.u32 $0xFFFFFFC0, v61  }
0x96: {  	v3 =	vor.u32 v3, v4  }
0x97: {  	v4 =	vperm.xlane v3, v0;
	_ =	sdelay $0x1  }
0x98: {  	v4 =	vadd.s32 v1, v4;
	_ =	sdelay $0x4  }
0x99: {  	[tilespmem:s30], [sflag:$0x5] =	stream.indirect_vreg.gather [hbm4b:s2+s4], $0x80, v4, vm0, $0xb8;
	[tilespmem:$0x16000] =	vst v63  }
0x9a: {  	s19 =	rddreg [dreg:$0x5];
	v3 =	vperm.xlane v3, v2  }
0x9b: {  	[tilespmem:s19], [sflag:$0x5] =	stream.indirect_vreg.gather [hbm4b:s7+s4], $0x80, v4, vm0, $0xb8;
	[tilespmem:$0x16000] =	vst v63  }
0x9c: {  	s22 =	rddreg [dreg:$0x6];
	v3 =	vadd.s32 v1, v3  }
0x9d: {  	[tilespmem:s22], [sflag:$0x5] =	stream.indirect_vreg.gather [hbm4b:s8+s4], $0x80, v4, vm0, $0xb8;
	[tilespmem:$0x16000] =	vst v63  }
0x9e: {  	s19 =	rddreg [dreg:$0x7]  }
0x9f: {  	[tilespmem:s19], [sflag:$0x5] =	stream.indirect_vreg.gather [hbm4b:s9+s4], $0x80, v4, vm0, $0xb8;
	[tilespmem:$0x16000] =	vst v63  }
0xa0: {  	s22 =	rddreg [dreg:$0x8]  }
0xa1: {  	[tilespmem:s22], [sflag:$0x5] =	stream.indirect_vreg.gather [hbm4b:s2+s4], $0x80, v3, vm0, $0xb8;
	[tilespmem:$0x16000] =	vst v63  }
0xa2: {  	s19 =	rddreg [dreg:$0x9]  }
0xa3: {  	[tilespmem:s19], [sflag:$0x5] =	stream.indirect_vreg.gather [hbm4b:s7+s4], $0x80, v3, vm0, $0xb8;
	[tilespmem:$0x16000] =	vst v63  }
0xa4: {  	s22 =	rddreg [dreg:$0xa]  }
0xa5: {  	[tilespmem:s22], [sflag:$0x5] =	stream.indirect_vreg.gather [hbm4b:s8+s4], $0x80, v3, vm0, $0xb8;
	[tilespmem:$0x16000] =	vst v63  }
0xa6: {  	s19 =	rddreg [dreg:$0xb]  }
0xa7: {  	[tilespmem:s19], [sflag:$0x5] =	stream.indirect_vreg.gather [hbm4b:s9+s4], $0x80, v3, vm0, $0xb8;
	[tilespmem:$0x16000] =	vst v63  }
0xa8: {  	_ =	swait.ge [sflag:s10], $0x4000  }
0xa9: {  	s19 =	sadd.s32 s17, s16;
	[sflag:s10] =	ssyncset.done $0x0  }
0xaa: {  	s22 =	sadd.s32 $0x1000, s19;
	[sflag:s10] =	ssyncadd.s32 $0xFFFFC000  }
0xab: {  	[hbm4b:s22+s4] =	stream.linear.scatter [tilespmem:s12], [sflag:$0x8], $0x4000, $0x38;
	[tilespmem:$0x16000] =	vst v63  }
0xac: {  	_ =	swait.ge [sflag:s13], $0x4000  }
0xad: {  	[sflag:s13] =	ssyncset.done $0x0  }
0xae: {  	[sflag:s13] =	ssyncadd.s32 $0xFFFFC000  }
0xaf: {  	v3 =	vld [tilespmem:s6+$0xFFFFFF80];
	_ =	sdelay $0x4  }
0xb0: {  	v62 =	vshll.u32 v3, $0x3  }
0xb1: {  	v3 =	vand.u32 $0x7, v3;
	v4 =	vand.u32 $0xFFFFFFC0, v62  }
0xb2: {  	v3 =	vor.u32 v3, v4  }
0xb3: {  	v4 =	vperm.xlane v3, v0;
	_ =	sdelay $0x1  }
0xb4: {  	v4 =	vadd.s32 v1, v4;
	_ =	sdelay $0x4  }
0xb5: {  	[tilespmem:s1], [sflag:$0x1] =	stream.indirect_vreg.gather [hbm4b:s2+s4], $0x80, v4, vm0, $0xb8;
	[tilespmem:$0x16000] =	vst v63  }
0xb6: {  	s22 =	simm.s32 $0x2800;
	v3 =	vperm.xlane v3, v2  }
0xb7: {  	[tilespmem:s22], [sflag:$0x1] =	stream.indirect_vreg.gather [hbm4b:s7+s4], $0x80, v4, vm0, $0xb8;
	[tilespmem:$0x16000] =	vst v63  }
0xb8: {  	s24 =	simm.s32 $0x3000;
	v3 =	vadd.s32 v1, v3  }
0xb9: {  	[tilespmem:s24], [sflag:$0x1] =	stream.indirect_vreg.gather [hbm4b:s8+s4], $0x80, v4, vm0, $0xb8;
	[tilespmem:$0x16000] =	vst v63  }
0xba: {  	s1 =	simm.s32 $0x3800  }
0xbb: {  	[tilespmem:s1], [sflag:$0x1] =	stream.indirect_vreg.gather [hbm4b:s9+s4], $0x80, v4, vm0, $0xb8;
	[tilespmem:$0x16000] =	vst v63  }
0xbc: {  	s1 =	simm.s32 $0x4000  }
0xbd: {  	[tilespmem:s1], [sflag:$0x1] =	stream.indirect_vreg.gather [hbm4b:s2+s4], $0x80, v3, vm0, $0xb8;
	[tilespmem:$0x16000] =	vst v63  }
0xbe: {  	s1 =	simm.s32 $0x4800  }
0xbf: {  	[tilespmem:s1], [sflag:$0x1] =	stream.indirect_vreg.gather [hbm4b:s7+s4], $0x80, v3, vm0, $0xb8;
	[tilespmem:$0x16000] =	vst v63  }
0xc0: {  	s1 =	simm.s32 $0x5000  }
0xc1: {  	[tilespmem:s1], [sflag:$0x1] =	stream.indirect_vreg.gather [hbm4b:s8+s4], $0x80, v3, vm0, $0xb8;
	[tilespmem:$0x16000] =	vst v63  }
0xc2: {  	s1 =	simm.s32 $0x5800  }
0xc3: {  	[tilespmem:s1], [sflag:$0x1] =	stream.indirect_vreg.gather [hbm4b:s9+s4], $0x80, v3, vm0, $0xb8;
	[tilespmem:$0x16000] =	vst v63  }
0xc4: {  	_ =	swait.ge [sflag:s14], $0x4000  }
0xc5: {  	[sflag:s14] =	ssyncset.done $0x0  }
0xc6: {  	s19 =	sadd.s32 $0x1800, s19;
	[sflag:s14] =	ssyncadd.s32 $0xFFFFC000  }
0xc7: {  	[hbm4b:s19+s4] =	stream.linear.scatter [tilespmem:s21], [sflag:$0x9], $0x4000, $0x38;
	[tilespmem:$0x16000] =	vst v63  }
0xc8: {  	_ =	swait.ge [sflag:s15], $0x4000  }
0xc9: {  	[sflag:s15] =	ssyncset.done $0x0  }
0xca: {  	[sflag:s15] =	ssyncadd.s32 $0xFFFFC000  }
0xcb: {  	v3 =	vld [tilespmem:s6+$0x0];
	_ =	sdelay $0x4  }
0xcc: {  	v63 =	vshll.u32 v3, $0x3  }
0xcd: {  	v3 =	vand.u32 $0x7, v3;
	v4 =	vand.u32 $0xFFFFFFC0, v63  }
0xce: {  	v3 =	vor.u32 v3, v4  }
0xcf: {  	v4 =	vperm.xlane v3, v0;
	_ =	sdelay $0x1  }
0xd0: {  	v4 =	vadd.s32 v1, v4;
	_ =	sdelay $0x4  }
0xd1: {  	[tilespmem:s26], [sflag:$0x2] =	stream.indirect_vreg.gather [hbm4b:s2+s4], $0x80, v4, vm0, $0xb8;
	[tilespmem:$0x16000] =	vst v63  }
0xd2: {  	s19 =	simm.s32 $0x6800;
	v3 =	vperm.xlane v3, v2  }
0xd3: {  	[tilespmem:s19], [sflag:$0x2] =	stream.indirect_vreg.gather [hbm4b:s7+s4], $0x80, v4, vm0, $0xb8;
	[tilespmem:$0x16000] =	vst v63  }
0xd4: {  	v3 =	vadd.s32 v1, v3  }
0xd5: {  	[tilespmem:s25], [sflag:$0x2] =	stream.indirect_vreg.gather [hbm4b:s8+s4], $0x80, v4, vm0, $0xb8;
	[tilespmem:$0x16000] =	vst v63  }
0xd6: {  	_ = 	snop  }
0xd7: {  	[tilespmem:s5], [sflag:$0x2] =	stream.indirect_vreg.gather [hbm4b:s9+s4], $0x80, v4, vm0, $0xb8;
	[tilespmem:$0x16000] =	vst v63  }
0xd8: {  	s17 =	sadd.s32 $0x2800, s17;
	s19 =	simm.s32 $0x8000  }
0xd9: {  	[tilespmem:s19], [sflag:$0x2] =	stream.indirect_vreg.gather [hbm4b:s2+s4], $0x80, v3, vm0, $0xb8;
	[tilespmem:$0x16000] =	vst v63  }
0xda: {  	p0 =	sne.s32 s17, $0x1E000;
	s19 =	simm.s32 $0x8800  }
0xdb: {  	[tilespmem:s19], [sflag:$0x2] =	stream.indirect_vreg.gather [hbm4b:s7+s4], $0x80, v3, vm0, $0xb8;
	[tilespmem:$0x16000] =	vst v63  }
.Ltmp0:
0xdc: {  	_ = 	snop;
	(pc) =	sbr.rel @p0 .LBB2_2-.Ltmp0, $4  }
0xdd: {  	s19 =	simm.s32 $0x9000  }
0xde: {  	[tilespmem:s19], [sflag:$0x2] =	stream.indirect_vreg.gather [hbm4b:s8+s4], $0x80, v3, vm0, $0xb8;
	[tilespmem:$0x16000] =	vst v63  }
0xdf: {  	s29 =	simm.s32 $0x2000;
	s3 =	sadd.s32 $0x50, s3;
	s6 =	sadd.s32 $0x280, s6  }
0xe0: {  	[tilespmem:s28], [sflag:$0x2] =	stream.indirect_vreg.gather [hbm4b:s9+s4], $0x80, v3, vm0, $0xb8;
	[tilespmem:$0x16000] =	vst v63  }
0xe1: {  	_ =	swait.ge [sflag:s11], $0x4000  }
0xe2: {  	[sflag:s11] =	ssyncset.done $0x0  }
0xe3: {  	s1 =	simm.s32 $0x9;
	s3 =	rddreg [dreg:$0xd];
	[sflag:s11] =	ssyncadd.s32 $0xFFFFC000  }
0xe4: {  	[hbm4b:s3+s4] =	stream.linear.scatter [tilespmem:s30], [sflag:$0xA], $0x4000, $0x38;
	[tilespmem:$0x16000] =	vst v63  }
0xe5: {  	_ =	swait.ge [sflag:s1], $0x4000  }
0xe6: {  	[sflag:s1] =	ssyncset.done $0x0  }
0xe7: {  	[sflag:s1] =	ssyncadd.s32 $0xFFFFC000  }
0xe8: {  	v3 =	vld [tilespmem:$0x1F00];
	_ =	sdelay $0x4  }
0xe9: {  	v4 =	vshll.u32 v3, $0x3  }
0xea: {  	v3 =	vand.u32 $0x7, v3;
	v4 =	vand.u32 $0xFFFFFFC0, v4  }
0xeb: {  	v3 =	vor.u32 v3, v4  }
0xec: {  	v4 =	vperm.xlane v3, v0;
	_ =	sdelay $0x1  }
0xed: {  	v4 =	vadd.s32 v1, v4;
	_ =	sdelay $0x4  }
0xee: {  	[tilespmem:s12], [sflag:$0x3] =	stream.indirect_vreg.gather [hbm4b:s2+s4], $0x80, v4, vm0, $0xb8;
	[tilespmem:$0x16000] =	vst v63  }
0xef: {  	s19 =	simm.s32 $0xA800;
	v3 =	vperm.xlane v3, v2  }
0xf0: {  	[tilespmem:s19], [sflag:$0x3] =	stream.indirect_vreg.gather [hbm4b:s7+s4], $0x80, v4, vm0, $0xb8;
	[tilespmem:$0x16000] =	vst v63  }
0xf1: {  	s25 =	simm.s32 $0xB000;
	v3 =	vadd.s32 v1, v3  }
0xf2: {  	[tilespmem:s25], [sflag:$0x3] =	stream.indirect_vreg.gather [hbm4b:s8+s4], $0x80, v4, vm0, $0xb8;
	[tilespmem:$0x16000] =	vst v63  }
0xf3: {  	s5 =	simm.s32 $0xB800  }
0xf4: {  	[tilespmem:s5], [sflag:$0x3] =	stream.indirect_vreg.gather [hbm4b:s9+s4], $0x80, v4, vm0, $0xb8;
	[tilespmem:$0x16000] =	vst v63  }
0xf5: {  	s6 =	simm.s32 $0xC000  }
0xf6: {  	[tilespmem:s6], [sflag:$0x3] =	stream.indirect_vreg.gather [hbm4b:s2+s4], $0x80, v3, vm0, $0xb8;
	[tilespmem:$0x16000] =	vst v63  }
0xf7: {  	s17 =	simm.s32 $0xC800  }
0xf8: {  	[tilespmem:s17], [sflag:$0x3] =	stream.indirect_vreg.gather [hbm4b:s7+s4], $0x80, v3, vm0, $0xb8;
	[tilespmem:$0x16000] =	vst v63  }
0xf9: {  	s18 =	simm.s32 $0xD000  }
0xfa: {  	[tilespmem:s18], [sflag:$0x3] =	stream.indirect_vreg.gather [hbm4b:s8+s4], $0x80, v3, vm0, $0xb8;
	[tilespmem:$0x16000] =	vst v63  }
0xfb: {  	s19 =	simm.s32 $0xD800  }
0xfc: {  	[tilespmem:s19], [sflag:$0x3] =	stream.indirect_vreg.gather [hbm4b:s9+s4], $0x80, v3, vm0, $0xb8;
	[tilespmem:$0x16000] =	vst v63  }
0xfd: {  	_ =	swait.ge [sflag:s20], $0x4000  }
0xfe: {  	[sflag:s20] =	ssyncset.done $0x0  }
0xff: {  	s5 =	simm.s32 $0xA;
	s25 =	rddreg [dreg:$0xe];
	[sflag:s20] =	ssyncadd.s32 $0xFFFFC000  }
0x100: {  	[hbm4b:s25+s4] =	stream.linear.scatter [tilespmem:s29], [sflag:$0x6], $0x4000, $0x38;
	[tilespmem:$0x16000] =	vst v63  }
0x101: {  	_ =	swait.ge [sflag:s5], $0x4000  }
0x102: {  	[sflag:s5] =	ssyncset.done $0x0  }
0x103: {  	[sflag:s5] =	ssyncadd.s32 $0xFFFFC000  }
0x104: {  	v3 =	vld [tilespmem:$0x1F80];
	_ =	sdelay $0x4  }
0x105: {  	v63 =	vshll.u32 v3, $0x3  }
0x106: {  	v3 =	vand.u32 $0x7, v3;
	v4 =	vand.u32 $0xFFFFFFC0, v63  }
0x107: {  	v3 =	vor.u32 v3, v4  }
0x108: {  	v4 =	vperm.xlane v3, v0;
	_ =	sdelay $0x1  }
0x109: {  	v4 =	vadd.s32 v1, v4;
	_ =	sdelay $0x4  }
0x10a: {  	[tilespmem:s21], [sflag:$0x4] =	stream.indirect_vreg.gather [hbm4b:s2+s4], $0x80, v4, vm0, $0xb8;
	[tilespmem:$0x16000] =	vst v63  }
0x10b: {  	s6 =	simm.s32 $0xE800;
	v3 =	vperm.xlane v3, v2  }
0x10c: {  	[tilespmem:s6], [sflag:$0x4] =	stream.indirect_vreg.gather [hbm4b:s7+s4], $0x80, v4, vm0, $0xb8;
	[tilespmem:$0x16000] =	vst v63  }
0x10d: {  	s17 =	simm.s32 $0xF000;
	v3 =	vadd.s32 v1, v3  }
0x10e: {  	[tilespmem:s17], [sflag:$0x4] =	stream.indirect_vreg.gather [hbm4b:s8+s4], $0x80, v4, vm0, $0xb8;
	[tilespmem:$0x16000] =	vst v63  }
0x10f: {  	s18 =	simm.s32 $0xF800  }
0x110: {  	[tilespmem:s18], [sflag:$0x4] =	stream.indirect_vreg.gather [hbm4b:s9+s4], $0x80, v4, vm0, $0xb8;
	[tilespmem:$0x16000] =	vst v63  }
0x111: {  	s19 =	simm.s32 $0x10000  }
0x112: {  	[tilespmem:s19], [sflag:$0x4] =	stream.indirect_vreg.gather [hbm4b:s2+s4], $0x80, v3, vm0, $0xb8;
	[tilespmem:$0x16000] =	vst v63  }
0x113: {  	s25 =	simm.s32 $0x10800  }
0x114: {  	[tilespmem:s25], [sflag:$0x4] =	stream.indirect_vreg.gather [hbm4b:s7+s4], $0x80, v3, vm0, $0xb8;
	[tilespmem:$0x16000] =	vst v63  }
0x115: {  	s5 =	simm.s32 $0x11000  }
0x116: {  	[tilespmem:s5], [sflag:$0x4] =	stream.indirect_vreg.gather [hbm4b:s8+s4], $0x80, v3, vm0, $0xb8;
	[tilespmem:$0x16000] =	vst v63  }
0x117: {  	s6 =	simm.s32 $0x11800  }
0x118: {  	[tilespmem:s6], [sflag:$0x4] =	stream.indirect_vreg.gather [hbm4b:s9+s4], $0x80, v3, vm0, $0xb8;
	[tilespmem:$0x16000] =	vst v63  }
0x119: {  	_ =	swait.ge [sflag:s31], $0x4000  }
0x11a: {  	[sflag:s31] =	ssyncset.done $0x0  }
0x11b: {  	s17 =	rddreg [dreg:$0xf];
	[sflag:s31] =	ssyncadd.s32 $0xFFFFC000  }
0x11c: {  	[hbm4b:s17+s4] =	stream.linear.scatter [tilespmem:s26], [sflag:$0x7], $0x4000, $0x38;
	[tilespmem:$0x16000] =	vst v63  }
0x11d: {  	_ =	swait.ge [sflag:s0], $0x4000  }
0x11e: {  	[sflag:s0] =	ssyncset.done $0x0  }
0x11f: {  	[sflag:s0] =	ssyncadd.s32 $0xFFFFC000  }
0x120: {  	_ =	swait.ge [sflag:s10], $0x4000  }
0x121: {  	[sflag:s10] =	ssyncset.done $0x0  }
0x122: {  	s18 =	rddreg [dreg:$0x10];
	[sflag:s10] =	ssyncadd.s32 $0xFFFFC000  }
0x123: {  	[hbm4b:s18+s4] =	stream.linear.scatter [tilespmem:s12], [sflag:$0x8], $0x4000, $0x38;
	[tilespmem:$0x16000] =	vst v63  }
0x124: {  	_ =	swait.ge [sflag:s13], $0x4000  }
0x125: {  	[sflag:s13] =	ssyncset.done $0x0  }
0x126: {  	s6 =	simm.s32 $0xB;
	s17 =	rddreg [dreg:$0xc];
	[sflag:s13] =	ssyncadd.s32 $0xFFFFC000  }
0x127: {  	[tilespmem:s4], [sflag:$0xB] =	stream.linear.gather [hbm4b:s17+s4], $0x2000, $0x38;
	[tilespmem:$0x16000] =	vst v63  }
0x128: {  	_ =	swait.ge [sflag:s6], $0x2000  }
0x129: {  	[sflag:s6] =	ssyncset.done $0x0  }
0x12a: {  	s19 =	rddreg [dreg:$0x11];
	[sflag:s6] =	ssyncadd.s32 $0xFFFFE000  }
0x12b: {  	[hbm4b:s19+s4] =	stream.linear.scatter [tilespmem:s21], [sflag:$0x9], $0x4000, $0x38;
	[tilespmem:$0x16000] =	vst v63  }
0x12c: {  	_ =	swait.ge [sflag:s15], $0x4000  }
0x12d: {  	[sflag:s15] =	ssyncset.done $0x0  }
0x12e: {  	[sflag:s15] =	ssyncadd.s32 $0xFFFFC000  }
0x12f: {  	_ =	swait.ge [sflag:s1], $0x4000  }
0x130: {  	s5 =	rddreg [dreg:$0x14]  }
0x131: {  	s25 =	rddreg [dreg:$0x12];
	s5 =	sadd.s32 $0x1, s5  }
0x132: {  	p0 =	sne.s32 s5, s25  }
.Ltmp1:
0x133: {  	_ = 	snop;
	(pc) =	sbr.rel @p0 .LBB2_1-.Ltmp1, $4  }
0x134: {  	s28 =	simm.s32 $0x5000;
	s3 =	simm.s32 $0x3800  }
0x135: {  	s30 =	simm.s32 $0x7800;
	s18 =	simm.s32 $0x7000;
	[sflag:s1] =	ssyncset.done $0x0  }
0x136: {  	s19 =	simm.s32 $0x4000;
	[sflag:s1] =	ssyncadd.s32 $0xFFFFC000;
	s1 =	simm.s32 $0x5800  }
0x137: {  	[dreg:$0x14] =	wrdreg s5;
	s25 =	simm.s32 $0x4800;
	s5 =	simm.s32 $0x6800  }
0x138: {  	_ =	sfence.sel $0x180000  }
0x139: {  	[bflag:$0x0] =	sbarrier.arrive $0xFFFF  }
0x13a: {  	_ =	strace $0x90000047  }
0x13b: {  	s0 =	stileid.u32;
	[bflag:$0x2] =	sbarrier.arrive $0xFFFF  }
0x13c: {  	p0 =	sne.s32 s0, $0x0;
	s0 =	rddreg [dreg:$0x3]  }
0x13d: {  	s0 =	sadd.s32 @!p0 $0x100000, s0  }
0x13e: {  	[sflag:s0] =	ssyncadd.tile.s32 @!p0 $0x1;
	_ =	shalt  }
.Lfunc_end2:
_tile_overlayer_lowered:
.L_overlay_start_2:
0x13f: {  	(tag) =	ssettag $0x2  }
0x140: {  	s0 =	rddreg [dreg:$0x0];
	s2 =	stileid.u32  }
0x141: {  	s1 =	rddreg [dreg:$0x1];
	p0 =	sne.s32 s2, $0x0  }
0x142: {  	s3 =	rddreg [dreg:$0x2];
	[bflag:$0x3] =	sbarrier.arrive $0xFFFF;
	s2 =	simm.s32 @!p0 $0x1C0B  }
0x143: {  	[timem:s3], [sflag:s2] =	dma.local @!p0 [hbm:s0], s1  }
0x144: {  	s0 =	simm.s32 @!p0 $0xB  }
0x145: {  	_ =	swait.ge @!p0 [sflag:s0], s1  }
0x146: {  	s1 =	ssub.s32 @!p0 $0x0, s1;
	[sflag:s0] =	ssyncset.done @!p0 $0x0  }
0x147: {  	[sflag:s0] =	ssyncadd.s32 @!p0 s1  }
0x148: {  	[bflag:$0x3] =	sbarrier.arrive $0xFFFF  }
0x149: {  	_ =	shalt  }

</sc_bundles>
